<compile_context>
chip_gen: v7x
topology: tpu7x:2x2x1
jax: 0.10.2.dev20260603
libtpu: 0.0.44.dev20260713+nightly
codegen_flags: <defaults>
</compile_context>

<pallas_src>
import functools

import jax
import jax.numpy as jnp
from jax import lax
from jax.experimental import pallas as pl
from jax.experimental.pallas import tpu as pltpu
from jax.experimental.pallas import tpu_sc as plsc

NUM_CODES = 512
CODE_DIM = 32
BATCH = 131072


ROW_BLOCK = 4096
GRID = BATCH // ROW_BLOCK


def _argmin_body(zt_ref, cb2_ref, idx_ref, lp_ref):
    zt = zt_ref[...]
    cb2 = cb2_ref[...]
    znt = jnp.sum(zt * zt, axis=0, keepdims=True)
    cbnt = 0.25 * jnp.sum(cb2 * cb2, axis=1, keepdims=True)
    mm2t = lax.dot_general(cb2, zt, (((1,), (0,)), ((), ())),
                           preferred_element_type=jnp.float32)
    dist = (znt + mm2t) + cbnt
    m = jnp.min(dist, axis=0, keepdims=True)
    onehot = jnp.where(dist == m, 1.0, 0.0)
    col = lax.broadcasted_iota(jnp.int32, (2, NUM_CODES), 1)
    row = lax.broadcasted_iota(jnp.int32, (2, NUM_CODES), 0)
    hl = jnp.where(row == 0, col >> 8, col & 255).astype(jnp.float32)
    idx2 = lax.dot_general(hl, onehot, (((1,), (0,)), ((), ())),
                           preferred_element_type=jnp.float32)
    idxf = idx2[0:1, :] * 256.0 + idx2[1:2, :]
    idx = jnp.minimum(idxf, float(NUM_CODES - 1)).astype(jnp.int32)
    idx_ref[0, 0, :] = idx[0, :]
    lp_ref[0, 0, :] = jnp.broadcast_to(jnp.sum(m), (128,))


NSPLIT = 2
HBATCH = BATCH // NSPLIT
HGRID = HBATCH // ROW_BLOCK


def _make_argmin_call(off):
    return pl.pallas_call(
        _argmin_body,
        grid=(HGRID,),
        in_specs=[
            pl.BlockSpec((CODE_DIM, ROW_BLOCK), lambda i: (0, i + off)),
            pl.BlockSpec((NUM_CODES, CODE_DIM), lambda i: (0, 0)),
        ],
        out_specs=[
            pl.BlockSpec((1, 1, ROW_BLOCK), lambda i: (i, 0, 0)),
            pl.BlockSpec((1, 1, 128), lambda i: (i, 0, 0)),
        ],
        out_shape=[
            jax.ShapeDtypeStruct((HGRID, 1, ROW_BLOCK), jnp.int32),
            jax.ShapeDtypeStruct((HGRID, 1, 128), jnp.float32),
        ],
    )


_argmin_calls = [_make_argmin_call(h * HGRID) for h in range(NSPLIT)]


NC = 2
NS = 16
NW = NC * NS
B_PER_W = HBATCH // NW
CHUNK = 1024
NCHUNKS = B_PER_W // CHUNK
GCHUNK = 128
NG = CHUNK // GCHUNK


def _sc_gather(codebook, indices):
    mesh = plsc.VectorSubcoreMesh(core_axis_name="c", subcore_axis_name="s")

    @functools.partial(
        pl.kernel,
        mesh=mesh,
        out_type=jax.ShapeDtypeStruct((HBATCH, CODE_DIM), jnp.float32),
        scratch_types=[
            pltpu.VMEM_SHARED((NUM_CODES, CODE_DIM), jnp.float32),
            pltpu.VMEM((CHUNK,), jnp.int32),
            pltpu.VMEM((CHUNK,), jnp.int32),
            pltpu.VMEM((CHUNK, CODE_DIM), jnp.float32),
            pltpu.VMEM((CHUNK, CODE_DIM), jnp.float32),
            pltpu.SemaphoreType.DMA,
            pltpu.SemaphoreType.DMA,
            pltpu.SemaphoreType.DMA,
        ],
        compiler_params=pltpu.CompilerParams(use_tc_tiling_on_sc=False),
    )
    def body(cb_hbm, idx_hbm, zq_hbm,
             cb_v, idx_v0, idx_v1, rows_v0, rows_v1, sem_g, sem_o0, sem_o1):
        sid = lax.axis_index("s")
        wid = sid * NC + lax.axis_index("c")
        base = wid * B_PER_W

        @pl.when(sid == 0)
        def _():
            pltpu.sync_copy(cb_hbm, cb_v)

        plsc.subcore_barrier()
        bufs = [(idx_v0, rows_v0, sem_o0), (idx_v1, rows_v1, sem_o1)]
        out_copies = [None, None]
        for c in range(NCHUNKS):
            idx_v, rows_v, sem_o = bufs[c % 2]
            if out_copies[c % 2] is not None:
                out_copies[c % 2].wait()
            cbase = base + c * CHUNK
            pltpu.sync_copy(idx_hbm.at[pl.ds(cbase, CHUNK)], idx_v)
            gathers = [
                pltpu.async_copy(
                    cb_v.at[idx_v.at[pl.ds(k * GCHUNK, GCHUNK)]],
                    rows_v.at[pl.ds(k * GCHUNK, GCHUNK)],
                    sem_g,
                )
                for k in range(NG)
            ]
            for g in gathers:
                g.wait()
            out_copies[c % 2] = pltpu.async_copy(
                rows_v, zq_hbm.at[pl.ds(cbase, CHUNK)], sem_o)
        for cp in out_copies:
            if cp is not None:
                cp.wait()

    return body(codebook, indices)


def kernel(z_e, codebook):
    zt = z_e.T
    cb2 = codebook * jnp.float32(-2.0)
    idx_halves, zq_halves, lp_halves = [], [], []
    for h in range(NSPLIT):
        idx3, lp = _argmin_calls[h](zt, cb2)
        ind = idx3.reshape(HBATCH)
        idx_halves.append(ind)
        lp_halves.append(lp)
        zq_halves.append(_sc_gather(codebook, ind))
    indices = jnp.concatenate(idx_halves)
    z_q = jnp.concatenate(zq_halves, axis=0)
    lp_sum = sum(jnp.sum(lp[:, 0, 0]) for lp in lp_halves)
    loss = lp_sum / jnp.float32(BATCH * CODE_DIM)
    return (z_q, indices, loss)

# --- scband reference (transcript-rebuilt; emitter-appended) ---
"""Pipeline reference for scband-vqcodebook-41360535061121 (READ-ONLY COPY).

The authoritative reference and input builder live on the scoring server;
editing this copy changes nothing except your own understanding.
"""

import jax, jax.numpy as jnp
import numpy as np

NUM_CODES = 512
CODE_DIM = 32
BATCH = 131072


def setup_inputs(seed: int = 0) -> dict:
    key = jax.random.key(seed)
    k1, k2 = jax.random.split(key)
    z_e = jax.random.normal(k1, (BATCH, CODE_DIM), dtype=jnp.float32)
    # nn.Embedding default init: N(0, 1)
    codebook = jax.random.normal(k2, (NUM_CODES, CODE_DIM), dtype=jnp.float32)
    return {"z_e": z_e, "codebook": codebook}


def reference(z_e, codebook):
    # distances: ||z_e||^2 - 2 z_e e^T + ||e||^2  -> (batch, num_codes)
    distances = (
        jnp.sum(z_e ** 2, axis=1, keepdims=True)
        - 2.0 * z_e @ codebook.T
        + jnp.sum(codebook ** 2, axis=1)
    )
    indices = jnp.argmin(distances, axis=1)
    z_q = jnp.take(codebook, indices, axis=0)
    # straight-through estimator
    z_q_st = z_e + jax.lax.stop_gradient(z_q - z_e)
    commitment_loss = jnp.mean((jax.lax.stop_gradient(z_e) - z_q) ** 2)
    return (z_q_st, indices, commitment_loss)

if __name__ == "__main__":
    import jax
    _d = setup_inputs()
    print(jax.jit(kernel)(*tuple(_d.values())))

</pallas_src>

<mosaic_0001>
#map = affine_map<(d0, d1) -> (0, 0)>
#map1 = affine_map<(d0, d1) -> (0)>
module attributes {stable_mosaic.version = 14 : i64} {
  func.func @body(%arg0: i32, %arg1: i32, %arg2: memref<512x32xf32, #tpu.memory_space<hbm>>, %arg3: memref<65536xi32, #tpu.memory_space<hbm>>, %arg4: memref<65536x32xf32, #tpu.memory_space<hbm>>, %arg5: memref<512x32xf32, #tpu.memory_space<vmem_shared>>, %arg6: memref<1024xi32, #tpu.memory_space<vmem>>, %arg7: memref<1024xi32, #tpu.memory_space<vmem>>, %arg8: memref<1024x32xf32, #tpu.memory_space<vmem>>, %arg9: memref<1024x32xf32, #tpu.memory_space<vmem>>, %arg10: memref<!tpu.dma_semaphore, #tpu.memory_space<semaphore_mem>>, %arg11: memref<!tpu.dma_semaphore, #tpu.memory_space<semaphore_mem>>, %arg12: memref<!tpu.dma_semaphore, #tpu.memory_space<semaphore_mem>>) attributes {dimension_semantics = [#tpu.dimension_semantics<core_parallel>, #tpu.dimension_semantics<subcore_parallel>], iteration_bounds = array<i64: 2, 16>, scalar_prefetch = 0 : i64, scratch_operands = 8 : i64, tpu.core_type = #tpu.core_type<sc_vector_subcore>, window_params = [{transform_indices = #map}, {transform_indices = #map1}, {transform_indices = #map}]} {
    %mul3A = arith.constant 2 : i32
    %mul3A_0 = arith.muli %arg1, %mul3A : i32
    %add3A = arith.addi %mul3A_0, %arg0 : i32
    %mul3A_1 = arith.constant 2048 : i32
    %mul3A_2 = arith.muli %add3A, %mul3A_1 : i32
    %eq3A = arith.constant 0 : i32
    %eq3A_3 = arith.cmpi eq, %arg1, %eq3A : i32
    %convert_element_type3A = arith.extui %eq3A_3 : i1 to i32
    %cond3A = arith.constant 0 : i32
    %cond3A_4 = arith.cmpi ne, %convert_element_type3A, %cond3A : i32
    scf.if %cond3A_4 {
      "tpu.region"() ({
        %run_scoped3A = tpu.sem_alloc : memref<!tpu.dma_semaphore, #tpu.memory_space<semaphore_mem>>
        tpu.enqueue_dma source(%arg2 : memref<512x32xf32, #tpu.memory_space<hbm>>) target(%arg5 : memref<512x32xf32, #tpu.memory_space<vmem_shared>>) target_semaphore(%run_scoped3A : memref<!tpu.dma_semaphore, #tpu.memory_space<semaphore_mem>>)
        tpu.wait_dma2 semaphore(%run_scoped3A : memref<!tpu.dma_semaphore, #tpu.memory_space<semaphore_mem>>) src(%arg2 : memref<512x32xf32, #tpu.memory_space<hbm>>) dst(%arg5 : memref<512x32xf32, #tpu.memory_space<vmem_shared>>)
        tpu.yield
      }) : () -> ()
    } else {
    }
    %barrier3A = arith.constant 0 : index
    tpu.barrier barrier_id(%barrier3A)
    %add3A_5 = arith.constant 0 : i32
    %add3A_6 = arith.addi %mul3A_2, %add3A_5 : i32
    "tpu.region"() ({
      %run_scoped3A = tpu.sem_alloc : memref<!tpu.dma_semaphore, #tpu.memory_space<semaphore_mem>>
      %dma_start3A_279 = tpu.memref_slice %arg3[%add3A_6] : memref<65536xi32, #tpu.memory_space<hbm>> -> memref<1024xi32, #tpu.memory_space<hbm>>
      %dma_start3A_280 = tpu.memref_slice %arg3[%add3A_6] : memref<65536xi32, #tpu.memory_space<hbm>> -> memref<1024xi32, #tpu.memory_space<hbm>>
      tpu.enqueue_dma source(%dma_start3A_280 : memref<1024xi32, #tpu.memory_space<hbm>>) target(%arg6 : memref<1024xi32, #tpu.memory_space<vmem>>) target_semaphore(%run_scoped3A : memref<!tpu.dma_semaphore, #tpu.memory_space<semaphore_mem>>)
      %dma_wait3A_281 = tpu.memref_slice %arg3[%add3A_6] : memref<65536xi32, #tpu.memory_space<hbm>> -> memref<1024xi32, #tpu.memory_space<hbm>>
      %dma_wait3A_282 = tpu.memref_slice %arg3[%add3A_6] : memref<65536xi32, #tpu.memory_space<hbm>> -> memref<1024xi32, #tpu.memory_space<hbm>>
      tpu.wait_dma2 semaphore(%run_scoped3A : memref<!tpu.dma_semaphore, #tpu.memory_space<semaphore_mem>>) src(%dma_wait3A_282 : memref<1024xi32, #tpu.memory_space<hbm>>) dst(%arg6 : memref<1024xi32, #tpu.memory_space<vmem>>)
      tpu.yield
    }) : () -> ()
    %dma_start3A = arith.constant 0 : i32
    %dma_start3A_7 = arith.constant 0 : i32
    %dma_start3A_8 = tpu.memref_slice %arg8[%dma_start3A, %dma_start3A_7] : memref<1024x32xf32, #tpu.memory_space<vmem>> -> memref<128x32xf32, #tpu.memory_space<vmem>>
    %dma_start3A_9 = arith.constant 0 : i32
    %dma_start3A_10 = tpu.memref_slice %arg6[%dma_start3A_9] : memref<1024xi32, #tpu.memory_space<vmem>> -> memref<128xi32, #tpu.memory_space<vmem>>
    %dma_start3A_11 = arith.constant 0 : i32
    %dma_start3A_12 = arith.constant 0 : i32
    %dma_start3A_13 = tpu.memref_slice %arg5[%dma_start3A_11, %dma_start3A_12] : memref<512x32xf32, #tpu.memory_space<vmem_shared>> -> memref<512x32xf32, #tpu.memory_space<vmem_shared>>
    tpu.enqueue_indirect_dma source(%dma_start3A_13 : memref<512x32xf32, #tpu.memory_space<vmem_shared>>) target(%dma_start3A_8 : memref<128x32xf32, #tpu.memory_space<vmem>>) offsets(%dma_start3A_10 : memref<128xi32, #tpu.memory_space<vmem>>) semaphore(%arg10 : memref<!tpu.dma_semaphore, #tpu.memory_space<semaphore_mem>>)
    %dma_start3A_14 = arith.constant 128 : i32
    %dma_start3A_15 = arith.constant 0 : i32
    %dma_start3A_16 = tpu.memref_slice %arg8[%dma_start3A_14, %dma_start3A_15] : memref<1024x32xf32, #tpu.memory_space<vmem>> -> memref<128x32xf32, #tpu.memory_space<vmem>>
    %dma_start3A_17 = arith.constant 128 : i32
    %dma_start3A_18 = tpu.memref_slice %arg6[%dma_start3A_17] : memref<1024xi32, #tpu.memory_space<vmem>> -> memref<128xi32, #tpu.memory_space<vmem>>
    %dma_start3A_19 = arith.constant 0 : i32
    %dma_start3A_20 = arith.constant 0 : i32
    %dma_start3A_21 = tpu.memref_slice %arg5[%dma_start3A_19, %dma_start3A_20] : memref<512x32xf32, #tpu.memory_space<vmem_shared>> -> memref<512x32xf32, #tpu.memory_space<vmem_shared>>
    tpu.enqueue_indirect_dma source(%dma_start3A_21 : memref<512x32xf32, #tpu.memory_space<vmem_shared>>) target(%dma_start3A_16 : memref<128x32xf32, #tpu.memory_space<vmem>>) offsets(%dma_start3A_18 : memref<128xi32, #tpu.memory_space<vmem>>) semaphore(%arg10 : memref<!tpu.dma_semaphore, #tpu.memory_space<semaphore_mem>>)
    %dma_start3A_22 = arith.constant 256 : i32
    %dma_start3A_23 = arith.constant 0 : i32
    %dma_start3A_24 = tpu.memref_slice %arg8[%dma_start3A_22, %dma_start3A_23] : memref<1024x32xf32, #tpu.memory_space<vmem>> -> memref<128x32xf32, #tpu.memory_space<vmem>>
    %dma_start3A_25 = arith.constant 256 : i32
    %dma_start3A_26 = tpu.memref_slice %arg6[%dma_start3A_25] : memref<1024xi32, #tpu.memory_space<vmem>> -> memref<128xi32, #tpu.memory_space<vmem>>
    %dma_start3A_27 = arith.constant 0 : i32
    %dma_start3A_28 = arith.constant 0 : i32
    %dma_start3A_29 = tpu.memref_slice %arg5[%dma_start3A_27, %dma_start3A_28] : memref<512x32xf32, #tpu.memory_space<vmem_shared>> -> memref<512x32xf32, #tpu.memory_space<vmem_shared>>
    tpu.enqueue_indirect_dma source(%dma_start3A_29 : memref<512x32xf32, #tpu.memory_space<vmem_shared>>) target(%dma_start3A_24 : memref<128x32xf32, #tpu.memory_space<vmem>>) offsets(%dma_start3A_26 : memref<128xi32, #tpu.memory_space<vmem>>) semaphore(%arg10 : memref<!tpu.dma_semaphore, #tpu.memory_space<semaphore_mem>>)
    %dma_start3A_30 = arith.constant 384 : i32
    %dma_start3A_31 = arith.constant 0 : i32
    %dma_start3A_32 = tpu.memref_slice %arg8[%dma_start3A_30, %dma_start3A_31] : memref<1024x32xf32, #tpu.memory_space<vmem>> -> memref<128x32xf32, #tpu.memory_space<vmem>>
    %dma_start3A_33 = arith.constant 384 : i32
    %dma_start3A_34 = tpu.memref_slice %arg6[%dma_start3A_33] : memref<1024xi32, #tpu.memory_space<vmem>> -> memref<128xi32, #tpu.memory_space<vmem>>
    %dma_start3A_35 = arith.constant 0 : i32
    %dma_start3A_36 = arith.constant 0 : i32
    %dma_start3A_37 = tpu.memref_slice %arg5[%dma_start3A_35, %dma_start3A_36] : memref<512x32xf32, #tpu.memory_space<vmem_shared>> -> memref<512x32xf32, #tpu.memory_space<vmem_shared>>
    tpu.enqueue_indirect_dma source(%dma_start3A_37 : memref<512x32xf32, #tpu.memory_space<vmem_shared>>) target(%dma_start3A_32 : memref<128x32xf32, #tpu.memory_space<vmem>>) offsets(%dma_start3A_34 : memref<128xi32, #tpu.memory_space<vmem>>) semaphore(%arg10 : memref<!tpu.dma_semaphore, #tpu.memory_space<semaphore_mem>>)
    %dma_start3A_38 = arith.constant 512 : i32
    %dma_start3A_39 = arith.constant 0 : i32
    %dma_start3A_40 = tpu.memref_slice %arg8[%dma_start3A_38, %dma_start3A_39] : memref<1024x32xf32, #tpu.memory_space<vmem>> -> memref<128x32xf32, #tpu.memory_space<vmem>>
    %dma_start3A_41 = arith.constant 512 : i32
    %dma_start3A_42 = tpu.memref_slice %arg6[%dma_start3A_41] : memref<1024xi32, #tpu.memory_space<vmem>> -> memref<128xi32, #tpu.memory_space<vmem>>
    %dma_start3A_43 = arith.constant 0 : i32
    %dma_start3A_44 = arith.constant 0 : i32
    %dma_start3A_45 = tpu.memref_slice %arg5[%dma_start3A_43, %dma_start3A_44] : memref<512x32xf32, #tpu.memory_space<vmem_shared>> -> memref<512x32xf32, #tpu.memory_space<vmem_shared>>
    tpu.enqueue_indirect_dma source(%dma_start3A_45 : memref<512x32xf32, #tpu.memory_space<vmem_shared>>) target(%dma_start3A_40 : memref<128x32xf32, #tpu.memory_space<vmem>>) offsets(%dma_start3A_42 : memref<128xi32, #tpu.memory_space<vmem>>) semaphore(%arg10 : memref<!tpu.dma_semaphore, #tpu.memory_space<semaphore_mem>>)
    %dma_start3A_46 = arith.constant 640 : i32
    %dma_start3A_47 = arith.constant 0 : i32
    %dma_start3A_48 = tpu.memref_slice %arg8[%dma_start3A_46, %dma_start3A_47] : memref<1024x32xf32, #tpu.memory_space<vmem>> -> memref<128x32xf32, #tpu.memory_space<vmem>>
    %dma_start3A_49 = arith.constant 640 : i32
    %dma_start3A_50 = tpu.memref_slice %arg6[%dma_start3A_49] : memref<1024xi32, #tpu.memory_space<vmem>> -> memref<128xi32, #tpu.memory_space<vmem>>
    %dma_start3A_51 = arith.constant 0 : i32
    %dma_start3A_52 = arith.constant 0 : i32
    %dma_start3A_53 = tpu.memref_slice %arg5[%dma_start3A_51, %dma_start3A_52] : memref<512x32xf32, #tpu.memory_space<vmem_shared>> -> memref<512x32xf32, #tpu.memory_space<vmem_shared>>
    tpu.enqueue_indirect_dma source(%dma_start3A_53 : memref<512x32xf32, #tpu.memory_space<vmem_shared>>) target(%dma_start3A_48 : memref<128x32xf32, #tpu.memory_space<vmem>>) offsets(%dma_start3A_50 : memref<128xi32, #tpu.memory_space<vmem>>) semaphore(%arg10 : memref<!tpu.dma_semaphore, #tpu.memory_space<semaphore_mem>>)
    %dma_start3A_54 = arith.constant 768 : i32
    %dma_start3A_55 = arith.constant 0 : i32
    %dma_start3A_56 = tpu.memref_slice %arg8[%dma_start3A_54, %dma_start3A_55] : memref<1024x32xf32, #tpu.memory_space<vmem>> -> memref<128x32xf32, #tpu.memory_space<vmem>>
    %dma_start3A_57 = arith.constant 768 : i32
    %dma_start3A_58 = tpu.memref_slice %arg6[%dma_start3A_57] : memref<1024xi32, #tpu.memory_space<vmem>> -> memref<128xi32, #tpu.memory_space<vmem>>
    %dma_start3A_59 = arith.constant 0 : i32
    %dma_start3A_60 = arith.constant 0 : i32
    %dma_start3A_61 = tpu.memref_slice %arg5[%dma_start3A_59, %dma_start3A_60] : memref<512x32xf32, #tpu.memory_space<vmem_shared>> -> memref<512x32xf32, #tpu.memory_space<vmem_shared>>
    tpu.enqueue_indirect_dma source(%dma_start3A_61 : memref<512x32xf32, #tpu.memory_space<vmem_shared>>) target(%dma_start3A_56 : memref<128x32xf32, #tpu.memory_space<vmem>>) offsets(%dma_start3A_58 : memref<128xi32, #tpu.memory_space<vmem>>) semaphore(%arg10 : memref<!tpu.dma_semaphore, #tpu.memory_space<semaphore_mem>>)
    %dma_start3A_62 = arith.constant 896 : i32
    %dma_start3A_63 = arith.constant 0 : i32
    %dma_start3A_64 = tpu.memref_slice %arg8[%dma_start3A_62, %dma_start3A_63] : memref<1024x32xf32, #tpu.memory_space<vmem>> -> memref<128x32xf32, #tpu.memory_space<vmem>>
    %dma_start3A_65 = arith.constant 896 : i32
    %dma_start3A_66 = tpu.memref_slice %arg6[%dma_start3A_65] : memref<1024xi32, #tpu.memory_space<vmem>> -> memref<128xi32, #tpu.memory_space<vmem>>
    %dma_start3A_67 = arith.constant 0 : i32
    %dma_start3A_68 = arith.constant 0 : i32
    %dma_start3A_69 = tpu.memref_slice %arg5[%dma_start3A_67, %dma_start3A_68] : memref<512x32xf32, #tpu.memory_space<vmem_shared>> -> memref<512x32xf32, #tpu.memory_space<vmem_shared>>
    tpu.enqueue_indirect_dma source(%dma_start3A_69 : memref<512x32xf32, #tpu.memory_space<vmem_shared>>) target(%dma_start3A_64 : memref<128x32xf32, #tpu.memory_space<vmem>>) offsets(%dma_start3A_66 : memref<128xi32, #tpu.memory_space<vmem>>) semaphore(%arg10 : memref<!tpu.dma_semaphore, #tpu.memory_space<semaphore_mem>>)
    %dma_wait3A = arith.constant 0 : i32
    %dma_wait3A_70 = arith.constant 0 : i32
    %dma_wait3A_71 = tpu.memref_slice %arg8[%dma_wait3A, %dma_wait3A_70] : memref<1024x32xf32, #tpu.memory_space<vmem>> -> memref<128x32xf32, #tpu.memory_space<vmem>>
    %dma_wait3A_72 = arith.constant 0 : i32
    %dma_wait3A_73 = tpu.memref_slice %arg6[%dma_wait3A_72] : memref<1024xi32, #tpu.memory_space<vmem>> -> memref<128xi32, #tpu.memory_space<vmem>>
    %dma_wait3A_74 = arith.constant 0 : i32
    %dma_wait3A_75 = arith.constant 0 : i32
    %dma_wait3A_76 = tpu.memref_slice %arg5[%dma_wait3A_74, %dma_wait3A_75] : memref<512x32xf32, #tpu.memory_space<vmem_shared>> -> memref<512x32xf32, #tpu.memory_space<vmem_shared>>
    tpu.wait_indirect_dma semaphore(%arg10 : memref<!tpu.dma_semaphore, #tpu.memory_space<semaphore_mem>>) src(%dma_wait3A_76 : memref<512x32xf32, #tpu.memory_space<vmem_shared>>) dst(%dma_wait3A_71 : memref<128x32xf32, #tpu.memory_space<vmem>>)
    %dma_wait3A_77 = arith.constant 128 : i32
    %dma_wait3A_78 = arith.constant 0 : i32
    %dma_wait3A_79 = tpu.memref_slice %arg8[%dma_wait3A_77, %dma_wait3A_78] : memref<1024x32xf32, #tpu.memory_space<vmem>> -> memref<128x32xf32, #tpu.memory_space<vmem>>
    %dma_wait3A_80 = arith.constant 128 : i32
    %dma_wait3A_81 = tpu.memref_slice %arg6[%dma_wait3A_80] : memref<1024xi32, #tpu.memory_space<vmem>> -> memref<128xi32, #tpu.memory_space<vmem>>
    %dma_wait3A_82 = arith.constant 0 : i32
    %dma_wait3A_83 = arith.constant 0 : i32
    %dma_wait3A_84 = tpu.memref_slice %arg5[%dma_wait3A_82, %dma_wait3A_83] : memref<512x32xf32, #tpu.memory_space<vmem_shared>> -> memref<512x32xf32, #tpu.memory_space<vmem_shared>>
    tpu.wait_indirect_dma semaphore(%arg10 : memref<!tpu.dma_semaphore, #tpu.memory_space<semaphore_mem>>) src(%dma_wait3A_84 : memref<512x32xf32, #tpu.memory_space<vmem_shared>>) dst(%dma_wait3A_79 : memref<128x32xf32, #tpu.memory_space<vmem>>)
    %dma_wait3A_85 = arith.constant 256 : i32
    %dma_wait3A_86 = arith.constant 0 : i32
    %dma_wait3A_87 = tpu.memref_slice %arg8[%dma_wait3A_85, %dma_wait3A_86] : memref<1024x32xf32, #tpu.memory_space<vmem>> -> memref<128x32xf32, #tpu.memory_space<vmem>>
    %dma_wait3A_88 = arith.constant 256 : i32
    %dma_wait3A_89 = tpu.memref_slice %arg6[%dma_wait3A_88] : memref<1024xi32, #tpu.memory_space<vmem>> -> memref<128xi32, #tpu.memory_space<vmem>>
    %dma_wait3A_90 = arith.constant 0 : i32
    %dma_wait3A_91 = arith.constant 0 : i32
    %dma_wait3A_92 = tpu.memref_slice %arg5[%dma_wait3A_90, %dma_wait3A_91] : memref<512x32xf32, #tpu.memory_space<vmem_shared>> -> memref<512x32xf32, #tpu.memory_space<vmem_shared>>
    tpu.wait_indirect_dma semaphore(%arg10 : memref<!tpu.dma_semaphore, #tpu.memory_space<semaphore_mem>>) src(%dma_wait3A_92 : memref<512x32xf32, #tpu.memory_space<vmem_shared>>) dst(%dma_wait3A_87 : memref<128x32xf32, #tpu.memory_space<vmem>>)
    %dma_wait3A_93 = arith.constant 384 : i32
    %dma_wait3A_94 = arith.constant 0 : i32
    %dma_wait3A_95 = tpu.memref_slice %arg8[%dma_wait3A_93, %dma_wait3A_94] : memref<1024x32xf32, #tpu.memory_space<vmem>> -> memref<128x32xf32, #tpu.memory_space<vmem>>
    %dma_wait3A_96 = arith.constant 384 : i32
    %dma_wait3A_97 = tpu.memref_slice %arg6[%dma_wait3A_96] : memref<1024xi32, #tpu.memory_space<vmem>> -> memref<128xi32, #tpu.memory_space<vmem>>
    %dma_wait3A_98 = arith.constant 0 : i32
    %dma_wait3A_99 = arith.constant 0 : i32
    %dma_wait3A_100 = tpu.memref_slice %arg5[%dma_wait3A_98, %dma_wait3A_99] : memref<512x32xf32, #tpu.memory_space<vmem_shared>> -> memref<512x32xf32, #tpu.memory_space<vmem_shared>>
    tpu.wait_indirect_dma semaphore(%arg10 : memref<!tpu.dma_semaphore, #tpu.memory_space<semaphore_mem>>) src(%dma_wait3A_100 : memref<512x32xf32, #tpu.memory_space<vmem_shared>>) dst(%dma_wait3A_95 : memref<128x32xf32, #tpu.memory_space<vmem>>)
    %dma_wait3A_101 = arith.constant 512 : i32
    %dma_wait3A_102 = arith.constant 0 : i32
    %dma_wait3A_103 = tpu.memref_slice %arg8[%dma_wait3A_101, %dma_wait3A_102] : memref<1024x32xf32, #tpu.memory_space<vmem>> -> memref<128x32xf32, #tpu.memory_space<vmem>>
    %dma_wait3A_104 = arith.constant 512 : i32
    %dma_wait3A_105 = tpu.memref_slice %arg6[%dma_wait3A_104] : memref<1024xi32, #tpu.memory_space<vmem>> -> memref<128xi32, #tpu.memory_space<vmem>>
    %dma_wait3A_106 = arith.constant 0 : i32
    %dma_wait3A_107 = arith.constant 0 : i32
    %dma_wait3A_108 = tpu.memref_slice %arg5[%dma_wait3A_106, %dma_wait3A_107] : memref<512x32xf32, #tpu.memory_space<vmem_shared>> -> memref<512x32xf32, #tpu.memory_space<vmem_shared>>
    tpu.wait_indirect_dma semaphore(%arg10 : memref<!tpu.dma_semaphore, #tpu.memory_space<semaphore_mem>>) src(%dma_wait3A_108 : memref<512x32xf32, #tpu.memory_space<vmem_shared>>) dst(%dma_wait3A_103 : memref<128x32xf32, #tpu.memory_space<vmem>>)
    %dma_wait3A_109 = arith.constant 640 : i32
    %dma_wait3A_110 = arith.constant 0 : i32
    %dma_wait3A_111 = tpu.memref_slice %arg8[%dma_wait3A_109, %dma_wait3A_110] : memref<1024x32xf32, #tpu.memory_space<vmem>> -> memref<128x32xf32, #tpu.memory_space<vmem>>
    %dma_wait3A_112 = arith.constant 640 : i32
    %dma_wait3A_113 = tpu.memref_slice %arg6[%dma_wait3A_112] : memref<1024xi32, #tpu.memory_space<vmem>> -> memref<128xi32, #tpu.memory_space<vmem>>
    %dma_wait3A_114 = arith.constant 0 : i32
    %dma_wait3A_115 = arith.constant 0 : i32
    %dma_wait3A_116 = tpu.memref_slice %arg5[%dma_wait3A_114, %dma_wait3A_115] : memref<512x32xf32, #tpu.memory_space<vmem_shared>> -> memref<512x32xf32, #tpu.memory_space<vmem_shared>>
    tpu.wait_indirect_dma semaphore(%arg10 : memref<!tpu.dma_semaphore, #tpu.memory_space<semaphore_mem>>) src(%dma_wait3A_116 : memref<512x32xf32, #tpu.memory_space<vmem_shared>>) dst(%dma_wait3A_111 : memref<128x32xf32, #tpu.memory_space<vmem>>)
    %dma_wait3A_117 = arith.constant 768 : i32
    %dma_wait3A_118 = arith.constant 0 : i32
    %dma_wait3A_119 = tpu.memref_slice %arg8[%dma_wait3A_117, %dma_wait3A_118] : memref<1024x32xf32, #tpu.memory_space<vmem>> -> memref<128x32xf32, #tpu.memory_space<vmem>>
    %dma_wait3A_120 = arith.constant 768 : i32
    %dma_wait3A_121 = tpu.memref_slice %arg6[%dma_wait3A_120] : memref<1024xi32, #tpu.memory_space<vmem>> -> memref<128xi32, #tpu.memory_space<vmem>>
    %dma_wait3A_122 = arith.constant 0 : i32
    %dma_wait3A_123 = arith.constant 0 : i32
    %dma_wait3A_124 = tpu.memref_slice %arg5[%dma_wait3A_122, %dma_wait3A_123] : memref<512x32xf32, #tpu.memory_space<vmem_shared>> -> memref<512x32xf32, #tpu.memory_space<vmem_shared>>
    tpu.wait_indirect_dma semaphore(%arg10 : memref<!tpu.dma_semaphore, #tpu.memory_space<semaphore_mem>>) src(%dma_wait3A_124 : memref<512x32xf32, #tpu.memory_space<vmem_shared>>) dst(%dma_wait3A_119 : memref<128x32xf32, #tpu.memory_space<vmem>>)
    %dma_wait3A_125 = arith.constant 896 : i32
    %dma_wait3A_126 = arith.constant 0 : i32
    %dma_wait3A_127 = tpu.memref_slice %arg8[%dma_wait3A_125, %dma_wait3A_126] : memref<1024x32xf32, #tpu.memory_space<vmem>> -> memref<128x32xf32, #tpu.memory_space<vmem>>
    %dma_wait3A_128 = arith.constant 896 : i32
    %dma_wait3A_129 = tpu.memref_slice %arg6[%dma_wait3A_128] : memref<1024xi32, #tpu.memory_space<vmem>> -> memref<128xi32, #tpu.memory_space<vmem>>
    %dma_wait3A_130 = arith.constant 0 : i32
    %dma_wait3A_131 = arith.constant 0 : i32
    %dma_wait3A_132 = tpu.memref_slice %arg5[%dma_wait3A_130, %dma_wait3A_131] : memref<512x32xf32, #tpu.memory_space<vmem_shared>> -> memref<512x32xf32, #tpu.memory_space<vmem_shared>>
    tpu.wait_indirect_dma semaphore(%arg10 : memref<!tpu.dma_semaphore, #tpu.memory_space<semaphore_mem>>) src(%dma_wait3A_132 : memref<512x32xf32, #tpu.memory_space<vmem_shared>>) dst(%dma_wait3A_127 : memref<128x32xf32, #tpu.memory_space<vmem>>)
    %dma_start3A_133 = arith.constant 0 : i32
    %dma_start3A_134 = tpu.memref_slice %arg4[%add3A_6, %dma_start3A_133] : memref<65536x32xf32, #tpu.memory_space<hbm>> -> memref<1024x32xf32, #tpu.memory_space<hbm>>
    %dma_start3A_135 = arith.constant 0 : i32
    %dma_start3A_136 = tpu.memref_slice %arg4[%add3A_6, %dma_start3A_135] : memref<65536x32xf32, #tpu.memory_space<hbm>> -> memref<1024x32xf32, #tpu.memory_space<hbm>>
    tpu.enqueue_dma source(%arg8 : memref<1024x32xf32, #tpu.memory_space<vmem>>) target(%dma_start3A_136 : memref<1024x32xf32, #tpu.memory_space<hbm>>) target_semaphore(%arg11 : memref<!tpu.dma_semaphore, #tpu.memory_space<semaphore_mem>>)
    %add3A_137 = arith.constant 1024 : i32
    %add3A_138 = arith.addi %mul3A_2, %add3A_137 : i32
    "tpu.region"() ({
      %run_scoped3A = tpu.sem_alloc : memref<!tpu.dma_semaphore, #tpu.memory_space<semaphore_mem>>
      %dma_start3A_279 = tpu.memref_slice %arg3[%add3A_138] : memref<65536xi32, #tpu.memory_space<hbm>> -> memref<1024xi32, #tpu.memory_space<hbm>>
      %dma_start3A_280 = tpu.memref_slice %arg3[%add3A_138] : memref<65536xi32, #tpu.memory_space<hbm>> -> memref<1024xi32, #tpu.memory_space<hbm>>
      tpu.enqueue_dma source(%dma_start3A_280 : memref<1024xi32, #tpu.memory_space<hbm>>) target(%arg7 : memref<1024xi32, #tpu.memory_space<vmem>>) target_semaphore(%run_scoped3A : memref<!tpu.dma_semaphore, #tpu.memory_space<semaphore_mem>>)
      %dma_wait3A_281 = tpu.memref_slice %arg3[%add3A_138] : memref<65536xi32, #tpu.memory_space<hbm>> -> memref<1024xi32, #tpu.memory_space<hbm>>
      %dma_wait3A_282 = tpu.memref_slice %arg3[%add3A_138] : memref<65536xi32, #tpu.memory_space<hbm>> -> memref<1024xi32, #tpu.memory_space<hbm>>
      tpu.wait_dma2 semaphore(%run_scoped3A : memref<!tpu.dma_semaphore, #tpu.memory_space<semaphore_mem>>) src(%dma_wait3A_282 : memref<1024xi32, #tpu.memory_space<hbm>>) dst(%arg7 : memref<1024xi32, #tpu.memory_space<vmem>>)
      tpu.yield
    }) : () -> ()
    %dma_start3A_139 = arith.constant 0 : i32
    %dma_start3A_140 = arith.constant 0 : i32
    %dma_start3A_141 = tpu.memref_slice %arg9[%dma_start3A_139, %dma_start3A_140] : memref<1024x32xf32, #tpu.memory_space<vmem>> -> memref<128x32xf32, #tpu.memory_space<vmem>>
    %dma_start3A_142 = arith.constant 0 : i32
    %dma_start3A_143 = tpu.memref_slice %arg7[%dma_start3A_142] : memref<1024xi32, #tpu.memory_space<vmem>> -> memref<128xi32, #tpu.memory_space<vmem>>
    %dma_start3A_144 = arith.constant 0 : i32
    %dma_start3A_145 = arith.constant 0 : i32
    %dma_start3A_146 = tpu.memref_slice %arg5[%dma_start3A_144, %dma_start3A_145] : memref<512x32xf32, #tpu.memory_space<vmem_shared>> -> memref<512x32xf32, #tpu.memory_space<vmem_shared>>
    tpu.enqueue_indirect_dma source(%dma_start3A_146 : memref<512x32xf32, #tpu.memory_space<vmem_shared>>) target(%dma_start3A_141 : memref<128x32xf32, #tpu.memory_space<vmem>>) offsets(%dma_start3A_143 : memref<128xi32, #tpu.memory_space<vmem>>) semaphore(%arg10 : memref<!tpu.dma_semaphore, #tpu.memory_space<semaphore_mem>>)
    %dma_start3A_147 = arith.constant 128 : i32
    %dma_start3A_148 = arith.constant 0 : i32
    %dma_start3A_149 = tpu.memref_slice %arg9[%dma_start3A_147, %dma_start3A_148] : memref<1024x32xf32, #tpu.memory_space<vmem>> -> memref<128x32xf32, #tpu.memory_space<vmem>>
    %dma_start3A_150 = arith.constant 128 : i32
    %dma_start3A_151 = tpu.memref_slice %arg7[%dma_start3A_150] : memref<1024xi32, #tpu.memory_space<vmem>> -> memref<128xi32, #tpu.memory_space<vmem>>
    %dma_start3A_152 = arith.constant 0 : i32
    %dma_start3A_153 = arith.constant 0 : i32
    %dma_start3A_154 = tpu.memref_slice %arg5[%dma_start3A_152, %dma_start3A_153] : memref<512x32xf32, #tpu.memory_space<vmem_shared>> -> memref<512x32xf32, #tpu.memory_space<vmem_shared>>
    tpu.enqueue_indirect_dma source(%dma_start3A_154 : memref<512x32xf32, #tpu.memory_space<vmem_shared>>) target(%dma_start3A_149 : memref<128x32xf32, #tpu.memory_space<vmem>>) offsets(%dma_start3A_151 : memref<128xi32, #tpu.memory_space<vmem>>) semaphore(%arg10 : memref<!tpu.dma_semaphore, #tpu.memory_space<semaphore_mem>>)
    %dma_start3A_155 = arith.constant 256 : i32
    %dma_start3A_156 = arith.constant 0 : i32
    %dma_start3A_157 = tpu.memref_slice %arg9[%dma_start3A_155, %dma_start3A_156] : memref<1024x32xf32, #tpu.memory_space<vmem>> -> memref<128x32xf32, #tpu.memory_space<vmem>>
    %dma_start3A_158 = arith.constant 256 : i32
    %dma_start3A_159 = tpu.memref_slice %arg7[%dma_start3A_158] : memref<1024xi32, #tpu.memory_space<vmem>> -> memref<128xi32, #tpu.memory_space<vmem>>
    %dma_start3A_160 = arith.constant 0 : i32
    %dma_start3A_161 = arith.constant 0 : i32
    %dma_start3A_162 = tpu.memref_slice %arg5[%dma_start3A_160, %dma_start3A_161] : memref<512x32xf32, #tpu.memory_space<vmem_shared>> -> memref<512x32xf32, #tpu.memory_space<vmem_shared>>
    tpu.enqueue_indirect_dma source(%dma_start3A_162 : memref<512x32xf32, #tpu.memory_space<vmem_shared>>) target(%dma_start3A_157 : memref<128x32xf32, #tpu.memory_space<vmem>>) offsets(%dma_start3A_159 : memref<128xi32, #tpu.memory_space<vmem>>) semaphore(%arg10 : memref<!tpu.dma_semaphore, #tpu.memory_space<semaphore_mem>>)
    %dma_start3A_163 = arith.constant 384 : i32
    %dma_start3A_164 = arith.constant 0 : i32
    %dma_start3A_165 = tpu.memref_slice %arg9[%dma_start3A_163, %dma_start3A_164] : memref<1024x32xf32, #tpu.memory_space<vmem>> -> memref<128x32xf32, #tpu.memory_space<vmem>>
    %dma_start3A_166 = arith.constant 384 : i32
    %dma_start3A_167 = tpu.memref_slice %arg7[%dma_start3A_166] : memref<1024xi32, #tpu.memory_space<vmem>> -> memref<128xi32, #tpu.memory_space<vmem>>
    %dma_start3A_168 = arith.constant 0 : i32
    %dma_start3A_169 = arith.constant 0 : i32
    %dma_start3A_170 = tpu.memref_slice %arg5[%dma_start3A_168, %dma_start3A_169] : memref<512x32xf32, #tpu.memory_space<vmem_shared>> -> memref<512x32xf32, #tpu.memory_space<vmem_shared>>
    tpu.enqueue_indirect_dma source(%dma_start3A_170 : memref<512x32xf32, #tpu.memory_space<vmem_shared>>) target(%dma_start3A_165 : memref<128x32xf32, #tpu.memory_space<vmem>>) offsets(%dma_start3A_167 : memref<128xi32, #tpu.memory_space<vmem>>) semaphore(%arg10 : memref<!tpu.dma_semaphore, #tpu.memory_space<semaphore_mem>>)
    %dma_start3A_171 = arith.constant 512 : i32
    %dma_start3A_172 = arith.constant 0 : i32
    %dma_start3A_173 = tpu.memref_slice %arg9[%dma_start3A_171, %dma_start3A_172] : memref<1024x32xf32, #tpu.memory_space<vmem>> -> memref<128x32xf32, #tpu.memory_space<vmem>>
    %dma_start3A_174 = arith.constant 512 : i32
    %dma_start3A_175 = tpu.memref_slice %arg7[%dma_start3A_174] : memref<1024xi32, #tpu.memory_space<vmem>> -> memref<128xi32, #tpu.memory_space<vmem>>
    %dma_start3A_176 = arith.constant 0 : i32
    %dma_start3A_177 = arith.constant 0 : i32
    %dma_start3A_178 = tpu.memref_slice %arg5[%dma_start3A_176, %dma_start3A_177] : memref<512x32xf32, #tpu.memory_space<vmem_shared>> -> memref<512x32xf32, #tpu.memory_space<vmem_shared>>
    tpu.enqueue_indirect_dma source(%dma_start3A_178 : memref<512x32xf32, #tpu.memory_space<vmem_shared>>) target(%dma_start3A_173 : memref<128x32xf32, #tpu.memory_space<vmem>>) offsets(%dma_start3A_175 : memref<128xi32, #tpu.memory_space<vmem>>) semaphore(%arg10 : memref<!tpu.dma_semaphore, #tpu.memory_space<semaphore_mem>>)
    %dma_start3A_179 = arith.constant 640 : i32
    %dma_start3A_180 = arith.constant 0 : i32
    %dma_start3A_181 = tpu.memref_slice %arg9[%dma_start3A_179, %dma_start3A_180] : memref<1024x32xf32, #tpu.memory_space<vmem>> -> memref<128x32xf32, #tpu.memory_space<vmem>>
    %dma_start3A_182 = arith.constant 640 : i32
    %dma_start3A_183 = tpu.memref_slice %arg7[%dma_start3A_182] : memref<1024xi32, #tpu.memory_space<vmem>> -> memref<128xi32, #tpu.memory_space<vmem>>
    %dma_start3A_184 = arith.constant 0 : i32
    %dma_start3A_185 = arith.constant 0 : i32
    %dma_start3A_186 = tpu.memref_slice %arg5[%dma_start3A_184, %dma_start3A_185] : memref<512x32xf32, #tpu.memory_space<vmem_shared>> -> memref<512x32xf32, #tpu.memory_space<vmem_shared>>
    tpu.enqueue_indirect_dma source(%dma_start3A_186 : memref<512x32xf32, #tpu.memory_space<vmem_shared>>) target(%dma_start3A_181 : memref<128x32xf32, #tpu.memory_space<vmem>>) offsets(%dma_start3A_183 : memref<128xi32, #tpu.memory_space<vmem>>) semaphore(%arg10 : memref<!tpu.dma_semaphore, #tpu.memory_space<semaphore_mem>>)
    %dma_start3A_187 = arith.constant 768 : i32
    %dma_start3A_188 = arith.constant 0 : i32
    %dma_start3A_189 = tpu.memref_slice %arg9[%dma_start3A_187, %dma_start3A_188] : memref<1024x32xf32, #tpu.memory_space<vmem>> -> memref<128x32xf32, #tpu.memory_space<vmem>>
    %dma_start3A_190 = arith.constant 768 : i32
    %dma_start3A_191 = tpu.memref_slice %arg7[%dma_start3A_190] : memref<1024xi32, #tpu.memory_space<vmem>> -> memref<128xi32, #tpu.memory_space<vmem>>
    %dma_start3A_192 = arith.constant 0 : i32
    %dma_start3A_193 = arith.constant 0 : i32
    %dma_start3A_194 = tpu.memref_slice %arg5[%dma_start3A_192, %dma_start3A_193] : memref<512x32xf32, #tpu.memory_space<vmem_shared>> -> memref<512x32xf32, #tpu.memory_space<vmem_shared>>
    tpu.enqueue_indirect_dma source(%dma_start3A_194 : memref<512x32xf32, #tpu.memory_space<vmem_shared>>) target(%dma_start3A_189 : memref<128x32xf32, #tpu.memory_space<vmem>>) offsets(%dma_start3A_191 : memref<128xi32, #tpu.memory_space<vmem>>) semaphore(%arg10 : memref<!tpu.dma_semaphore, #tpu.memory_space<semaphore_mem>>)
    %dma_start3A_195 = arith.constant 896 : i32
    %dma_start3A_196 = arith.constant 0 : i32
    %dma_start3A_197 = tpu.memref_slice %arg9[%dma_start3A_195, %dma_start3A_196] : memref<1024x32xf32, #tpu.memory_space<vmem>> -> memref<128x32xf32, #tpu.memory_space<vmem>>
    %dma_start3A_198 = arith.constant 896 : i32
    %dma_start3A_199 = tpu.memref_slice %arg7[%dma_start3A_198] : memref<1024xi32, #tpu.memory_space<vmem>> -> memref<128xi32, #tpu.memory_space<vmem>>
    %dma_start3A_200 = arith.constant 0 : i32
    %dma_start3A_201 = arith.constant 0 : i32
    %dma_start3A_202 = tpu.memref_slice %arg5[%dma_start3A_200, %dma_start3A_201] : memref<512x32xf32, #tpu.memory_space<vmem_shared>> -> memref<512x32xf32, #tpu.memory_space<vmem_shared>>
    tpu.enqueue_indirect_dma source(%dma_start3A_202 : memref<512x32xf32, #tpu.memory_space<vmem_shared>>) target(%dma_start3A_197 : memref<128x32xf32, #tpu.memory_space<vmem>>) offsets(%dma_start3A_199 : memref<128xi32, #tpu.memory_space<vmem>>) semaphore(%arg10 : memref<!tpu.dma_semaphore, #tpu.memory_space<semaphore_mem>>)
    %dma_wait3A_203 = arith.constant 0 : i32
    %dma_wait3A_204 = arith.constant 0 : i32
    %dma_wait3A_205 = tpu.memref_slice %arg9[%dma_wait3A_203, %dma_wait3A_204] : memref<1024x32xf32, #tpu.memory_space<vmem>> -> memref<128x32xf32, #tpu.memory_space<vmem>>
    %dma_wait3A_206 = arith.constant 0 : i32
    %dma_wait3A_207 = tpu.memref_slice %arg7[%dma_wait3A_206] : memref<1024xi32, #tpu.memory_space<vmem>> -> memref<128xi32, #tpu.memory_space<vmem>>
    %dma_wait3A_208 = arith.constant 0 : i32
    %dma_wait3A_209 = arith.constant 0 : i32
    %dma_wait3A_210 = tpu.memref_slice %arg5[%dma_wait3A_208, %dma_wait3A_209] : memref<512x32xf32, #tpu.memory_space<vmem_shared>> -> memref<512x32xf32, #tpu.memory_space<vmem_shared>>
    tpu.wait_indirect_dma semaphore(%arg10 : memref<!tpu.dma_semaphore, #tpu.memory_space<semaphore_mem>>) src(%dma_wait3A_210 : memref<512x32xf32, #tpu.memory_space<vmem_shared>>) dst(%dma_wait3A_205 : memref<128x32xf32, #tpu.memory_space<vmem>>)
    %dma_wait3A_211 = arith.constant 128 : i32
    %dma_wait3A_212 = arith.constant 0 : i32
    %dma_wait3A_213 = tpu.memref_slice %arg9[%dma_wait3A_211, %dma_wait3A_212] : memref<1024x32xf32, #tpu.memory_space<vmem>> -> memref<128x32xf32, #tpu.memory_space<vmem>>
    %dma_wait3A_214 = arith.constant 128 : i32
    %dma_wait3A_215 = tpu.memref_slice %arg7[%dma_wait3A_214] : memref<1024xi32, #tpu.memory_space<vmem>> -> memref<128xi32, #tpu.memory_space<vmem>>
    %dma_wait3A_216 = arith.constant 0 : i32
    %dma_wait3A_217 = arith.constant 0 : i32
    %dma_wait3A_218 = tpu.memref_slice %arg5[%dma_wait3A_216, %dma_wait3A_217] : memref<512x32xf32, #tpu.memory_space<vmem_shared>> -> memref<512x32xf32, #tpu.memory_space<vmem_shared>>
    tpu.wait_indirect_dma semaphore(%arg10 : memref<!tpu.dma_semaphore, #tpu.memory_space<semaphore_mem>>) src(%dma_wait3A_218 : memref<512x32xf32, #tpu.memory_space<vmem_shared>>) dst(%dma_wait3A_213 : memref<128x32xf32, #tpu.memory_space<vmem>>)
    %dma_wait3A_219 = arith.constant 256 : i32
    %dma_wait3A_220 = arith.constant 0 : i32
    %dma_wait3A_221 = tpu.memref_slice %arg9[%dma_wait3A_219, %dma_wait3A_220] : memref<1024x32xf32, #tpu.memory_space<vmem>> -> memref<128x32xf32, #tpu.memory_space<vmem>>
    %dma_wait3A_222 = arith.constant 256 : i32
    %dma_wait3A_223 = tpu.memref_slice %arg7[%dma_wait3A_222] : memref<1024xi32, #tpu.memory_space<vmem>> -> memref<128xi32, #tpu.memory_space<vmem>>
    %dma_wait3A_224 = arith.constant 0 : i32
    %dma_wait3A_225 = arith.constant 0 : i32
    %dma_wait3A_226 = tpu.memref_slice %arg5[%dma_wait3A_224, %dma_wait3A_225] : memref<512x32xf32, #tpu.memory_space<vmem_shared>> -> memref<512x32xf32, #tpu.memory_space<vmem_shared>>
    tpu.wait_indirect_dma semaphore(%arg10 : memref<!tpu.dma_semaphore, #tpu.memory_space<semaphore_mem>>) src(%dma_wait3A_226 : memref<512x32xf32, #tpu.memory_space<vmem_shared>>) dst(%dma_wait3A_221 : memref<128x32xf32, #tpu.memory_space<vmem>>)
    %dma_wait3A_227 = arith.constant 384 : i32
    %dma_wait3A_228 = arith.constant 0 : i32
    %dma_wait3A_229 = tpu.memref_slice %arg9[%dma_wait3A_227, %dma_wait3A_228] : memref<1024x32xf32, #tpu.memory_space<vmem>> -> memref<128x32xf32, #tpu.memory_space<vmem>>
    %dma_wait3A_230 = arith.constant 384 : i32
    %dma_wait3A_231 = tpu.memref_slice %arg7[%dma_wait3A_230] : memref<1024xi32, #tpu.memory_space<vmem>> -> memref<128xi32, #tpu.memory_space<vmem>>
    %dma_wait3A_232 = arith.constant 0 : i32
    %dma_wait3A_233 = arith.constant 0 : i32
    %dma_wait3A_234 = tpu.memref_slice %arg5[%dma_wait3A_232, %dma_wait3A_233] : memref<512x32xf32, #tpu.memory_space<vmem_shared>> -> memref<512x32xf32, #tpu.memory_space<vmem_shared>>
    tpu.wait_indirect_dma semaphore(%arg10 : memref<!tpu.dma_semaphore, #tpu.memory_space<semaphore_mem>>) src(%dma_wait3A_234 : memref<512x32xf32, #tpu.memory_space<vmem_shared>>) dst(%dma_wait3A_229 : memref<128x32xf32, #tpu.memory_space<vmem>>)
    %dma_wait3A_235 = arith.constant 512 : i32
    %dma_wait3A_236 = arith.constant 0 : i32
    %dma_wait3A_237 = tpu.memref_slice %arg9[%dma_wait3A_235, %dma_wait3A_236] : memref<1024x32xf32, #tpu.memory_space<vmem>> -> memref<128x32xf32, #tpu.memory_space<vmem>>
    %dma_wait3A_238 = arith.constant 512 : i32
    %dma_wait3A_239 = tpu.memref_slice %arg7[%dma_wait3A_238] : memref<1024xi32, #tpu.memory_space<vmem>> -> memref<128xi32, #tpu.memory_space<vmem>>
    %dma_wait3A_240 = arith.constant 0 : i32
    %dma_wait3A_241 = arith.constant 0 : i32
    %dma_wait3A_242 = tpu.memref_slice %arg5[%dma_wait3A_240, %dma_wait3A_241] : memref<512x32xf32, #tpu.memory_space<vmem_shared>> -> memref<512x32xf32, #tpu.memory_space<vmem_shared>>
    tpu.wait_indirect_dma semaphore(%arg10 : memref<!tpu.dma_semaphore, #tpu.memory_space<semaphore_mem>>) src(%dma_wait3A_242 : memref<512x32xf32, #tpu.memory_space<vmem_shared>>) dst(%dma_wait3A_237 : memref<128x32xf32, #tpu.memory_space<vmem>>)
    %dma_wait3A_243 = arith.constant 640 : i32
    %dma_wait3A_244 = arith.constant 0 : i32
    %dma_wait3A_245 = tpu.memref_slice %arg9[%dma_wait3A_243, %dma_wait3A_244] : memref<1024x32xf32, #tpu.memory_space<vmem>> -> memref<128x32xf32, #tpu.memory_space<vmem>>
    %dma_wait3A_246 = arith.constant 640 : i32
    %dma_wait3A_247 = tpu.memref_slice %arg7[%dma_wait3A_246] : memref<1024xi32, #tpu.memory_space<vmem>> -> memref<128xi32, #tpu.memory_space<vmem>>
    %dma_wait3A_248 = arith.constant 0 : i32
    %dma_wait3A_249 = arith.constant 0 : i32
    %dma_wait3A_250 = tpu.memref_slice %arg5[%dma_wait3A_248, %dma_wait3A_249] : memref<512x32xf32, #tpu.memory_space<vmem_shared>> -> memref<512x32xf32, #tpu.memory_space<vmem_shared>>
    tpu.wait_indirect_dma semaphore(%arg10 : memref<!tpu.dma_semaphore, #tpu.memory_space<semaphore_mem>>) src(%dma_wait3A_250 : memref<512x32xf32, #tpu.memory_space<vmem_shared>>) dst(%dma_wait3A_245 : memref<128x32xf32, #tpu.memory_space<vmem>>)
    %dma_wait3A_251 = arith.constant 768 : i32
    %dma_wait3A_252 = arith.constant 0 : i32
    %dma_wait3A_253 = tpu.memref_slice %arg9[%dma_wait3A_251, %dma_wait3A_252] : memref<1024x32xf32, #tpu.memory_space<vmem>> -> memref<128x32xf32, #tpu.memory_space<vmem>>
    %dma_wait3A_254 = arith.constant 768 : i32
    %dma_wait3A_255 = tpu.memref_slice %arg7[%dma_wait3A_254] : memref<1024xi32, #tpu.memory_space<vmem>> -> memref<128xi32, #tpu.memory_space<vmem>>
    %dma_wait3A_256 = arith.constant 0 : i32
    %dma_wait3A_257 = arith.constant 0 : i32
    %dma_wait3A_258 = tpu.memref_slice %arg5[%dma_wait3A_256, %dma_wait3A_257] : memref<512x32xf32, #tpu.memory_space<vmem_shared>> -> memref<512x32xf32, #tpu.memory_space<vmem_shared>>
    tpu.wait_indirect_dma semaphore(%arg10 : memref<!tpu.dma_semaphore, #tpu.memory_space<semaphore_mem>>) src(%dma_wait3A_258 : memref<512x32xf32, #tpu.memory_space<vmem_shared>>) dst(%dma_wait3A_253 : memref<128x32xf32, #tpu.memory_space<vmem>>)
    %dma_wait3A_259 = arith.constant 896 : i32
    %dma_wait3A_260 = arith.constant 0 : i32
    %dma_wait3A_261 = tpu.memref_slice %arg9[%dma_wait3A_259, %dma_wait3A_260] : memref<1024x32xf32, #tpu.memory_space<vmem>> -> memref<128x32xf32, #tpu.memory_space<vmem>>
    %dma_wait3A_262 = arith.constant 896 : i32
    %dma_wait3A_263 = tpu.memref_slice %arg7[%dma_wait3A_262] : memref<1024xi32, #tpu.memory_space<vmem>> -> memref<128xi32, #tpu.memory_space<vmem>>
    %dma_wait3A_264 = arith.constant 0 : i32
    %dma_wait3A_265 = arith.constant 0 : i32
    %dma_wait3A_266 = tpu.memref_slice %arg5[%dma_wait3A_264, %dma_wait3A_265] : memref<512x32xf32, #tpu.memory_space<vmem_shared>> -> memref<512x32xf32, #tpu.memory_space<vmem_shared>>
    tpu.wait_indirect_dma semaphore(%arg10 : memref<!tpu.dma_semaphore, #tpu.memory_space<semaphore_mem>>) src(%dma_wait3A_266 : memref<512x32xf32, #tpu.memory_space<vmem_shared>>) dst(%dma_wait3A_261 : memref<128x32xf32, #tpu.memory_space<vmem>>)
    %dma_start3A_267 = arith.constant 0 : i32
    %dma_start3A_268 = tpu.memref_slice %arg4[%add3A_138, %dma_start3A_267] : memref<65536x32xf32, #tpu.memory_space<hbm>> -> memref<1024x32xf32, #tpu.memory_space<hbm>>
    %dma_start3A_269 = arith.constant 0 : i32
    %dma_start3A_270 = tpu.memref_slice %arg4[%add3A_138, %dma_start3A_269] : memref<65536x32xf32, #tpu.memory_space<hbm>> -> memref<1024x32xf32, #tpu.memory_space<hbm>>
    tpu.enqueue_dma source(%arg9 : memref<1024x32xf32, #tpu.memory_space<vmem>>) target(%dma_start3A_270 : memref<1024x32xf32, #tpu.memory_space<hbm>>) target_semaphore(%arg12 : memref<!tpu.dma_semaphore, #tpu.memory_space<semaphore_mem>>)
    %dma_wait3A_271 = arith.constant 0 : i32
    %dma_wait3A_272 = tpu.memref_slice %arg4[%add3A_6, %dma_wait3A_271] : memref<65536x32xf32, #tpu.memory_space<hbm>> -> memref<1024x32xf32, #tpu.memory_space<hbm>>
    %dma_wait3A_273 = arith.constant 0 : i32
    %dma_wait3A_274 = tpu.memref_slice %arg4[%add3A_6, %dma_wait3A_273] : memref<65536x32xf32, #tpu.memory_space<hbm>> -> memref<1024x32xf32, #tpu.memory_space<hbm>>
    tpu.wait_dma2 semaphore(%arg11 : memref<!tpu.dma_semaphore, #tpu.memory_space<semaphore_mem>>) src(%arg8 : memref<1024x32xf32, #tpu.memory_space<vmem>>) dst(%dma_wait3A_274 : memref<1024x32xf32, #tpu.memory_space<hbm>>)
    %dma_wait3A_275 = arith.constant 0 : i32
    %dma_wait3A_276 = tpu.memref_slice %arg4[%add3A_138, %dma_wait3A_275] : memref<65536x32xf32, #tpu.memory_space<hbm>> -> memref<1024x32xf32, #tpu.memory_space<hbm>>
    %dma_wait3A_277 = arith.constant 0 : i32
    %dma_wait3A_278 = tpu.memref_slice %arg4[%add3A_138, %dma_wait3A_277] : memref<65536x32xf32, #tpu.memory_space<hbm>> -> memref<1024x32xf32, #tpu.memory_space<hbm>>
    tpu.wait_dma2 semaphore(%arg12 : memref<!tpu.dma_semaphore, #tpu.memory_space<semaphore_mem>>) src(%arg9 : memref<1024x32xf32, #tpu.memory_space<vmem>>) dst(%dma_wait3A_278 : memref<1024x32xf32, #tpu.memory_space<hbm>>)
    return
  }
}

#map = affine_map<(d0, d1) -> (0, 0)>
#map1 = affine_map<(d0, d1) -> (0)>
module attributes {stable_mosaic.version = 14 : i64} {
  func.func @body(%arg0: i32, %arg1: i32, %arg2: memref<512x32xf32, #tpu.memory_space<hbm>>, %arg3: memref<65536xi32, #tpu.memory_space<hbm>>, %arg4: memref<65536x32xf32, #tpu.memory_space<hbm>>, %arg5: memref<512x32xf32, #tpu.memory_space<vmem_shared>>, %arg6: memref<1024xi32, #tpu.memory_space<vmem>>, %arg7: memref<1024xi32, #tpu.memory_space<vmem>>, %arg8: memref<1024x32xf32, #tpu.memory_space<vmem>>, %arg9: memref<1024x32xf32, #tpu.memory_space<vmem>>, %arg10: memref<!tpu.dma_semaphore, #tpu.memory_space<semaphore_mem>>, %arg11: memref<!tpu.dma_semaphore, #tpu.memory_space<semaphore_mem>>, %arg12: memref<!tpu.dma_semaphore, #tpu.memory_space<semaphore_mem>>) attributes {dimension_semantics = [#tpu.dimension_semantics<core_parallel>, #tpu.dimension_semantics<subcore_parallel>], iteration_bounds = array<i64: 2, 16>, scalar_prefetch = 0 : i64, scratch_operands = 8 : i64, tpu.core_type = #tpu.core_type<sc_vector_subcore>, window_params = [{transform_indices = #map}, {transform_indices = #map1}, {transform_indices = #map}]} {
    %mul3A = arith.constant 2 : i32
    %mul3A_0 = arith.muli %arg1, %mul3A : i32
    %add3A = arith.addi %mul3A_0, %arg0 : i32
    %mul3A_1 = arith.constant 2048 : i32
    %mul3A_2 = arith.muli %add3A, %mul3A_1 : i32
    %eq3A = arith.constant 0 : i32
    %eq3A_3 = arith.cmpi eq, %arg1, %eq3A : i32
    %convert_element_type3A = arith.extui %eq3A_3 : i1 to i32
    %cond3A = arith.constant 0 : i32
    %cond3A_4 = arith.cmpi ne, %convert_element_type3A, %cond3A : i32
    scf.if %cond3A_4 {
      "tpu.region"() ({
        %run_scoped3A = tpu.sem_alloc : memref<!tpu.dma_semaphore, #tpu.memory_space<semaphore_mem>>
        tpu.enqueue_dma source(%arg2 : memref<512x32xf32, #tpu.memory_space<hbm>>) target(%arg5 : memref<512x32xf32, #tpu.memory_space<vmem_shared>>) target_semaphore(%run_scoped3A : memref<!tpu.dma_semaphore, #tpu.memory_space<semaphore_mem>>)
        tpu.wait_dma2 semaphore(%run_scoped3A : memref<!tpu.dma_semaphore, #tpu.memory_space<semaphore_mem>>) src(%arg2 : memref<512x32xf32, #tpu.memory_space<hbm>>) dst(%arg5 : memref<512x32xf32, #tpu.memory_space<vmem_shared>>)
        tpu.yield
      }) : () -> ()
    } else {
    }
    %barrier3A = arith.constant 0 : index
    tpu.barrier barrier_id(%barrier3A)
    %add3A_5 = arith.constant 0 : i32
    %add3A_6 = arith.addi %mul3A_2, %add3A_5 : i32
    "tpu.region"() ({
      %run_scoped3A = tpu.sem_alloc : memref<!tpu.dma_semaphore, #tpu.memory_space<semaphore_mem>>
      %dma_start3A_279 = tpu.memref_slice %arg3[%add3A_6] : memref<65536xi32, #tpu.memory_space<hbm>> -> memref<1024xi32, #tpu.memory_space<hbm>>
      %dma_start3A_280 = tpu.memref_slice %arg3[%add3A_6] : memref<65536xi32, #tpu.memory_space<hbm>> -> memref<1024xi32, #tpu.memory_space<hbm>>
      tpu.enqueue_dma source(%dma_start3A_280 : memref<1024xi32, #tpu.memory_space<hbm>>) target(%arg6 : memref<1024xi32, #tpu.memory_space<vmem>>) target_semaphore(%run_scoped3A : memref<!tpu.dma_semaphore, #tpu.memory_space<semaphore_mem>>)
      %dma_wait3A_281 = tpu.memref_slice %arg3[%add3A_6] : memref<65536xi32, #tpu.memory_space<hbm>> -> memref<1024xi32, #tpu.memory_space<hbm>>
      %dma_wait3A_282 = tpu.memref_slice %arg3[%add3A_6] : memref<65536xi32, #tpu.memory_space<hbm>> -> memref<1024xi32, #tpu.memory_space<hbm>>
      tpu.wait_dma2 semaphore(%run_scoped3A : memref<!tpu.dma_semaphore, #tpu.memory_space<semaphore_mem>>) src(%dma_wait3A_282 : memref<1024xi32, #tpu.memory_space<hbm>>) dst(%arg6 : memref<1024xi32, #tpu.memory_space<vmem>>)
      tpu.yield
    }) : () -> ()
    %dma_start3A = arith.constant 0 : i32
    %dma_start3A_7 = arith.constant 0 : i32
    %dma_start3A_8 = tpu.memref_slice %arg8[%dma_start3A, %dma_start3A_7] : memref<1024x32xf32, #tpu.memory_space<vmem>> -> memref<128x32xf32, #tpu.memory_space<vmem>>
    %dma_start3A_9 = arith.constant 0 : i32
    %dma_start3A_10 = tpu.memref_slice %arg6[%dma_start3A_9] : memref<1024xi32, #tpu.memory_space<vmem>> -> memref<128xi32, #tpu.memory_space<vmem>>
    %dma_start3A_11 = arith.constant 0 : i32
    %dma_start3A_12 = arith.constant 0 : i32
    %dma_start3A_13 = tpu.memref_slice %arg5[%dma_start3A_11, %dma_start3A_12] : memref<512x32xf32, #tpu.memory_space<vmem_shared>> -> memref<512x32xf32, #tpu.memory_space<vmem_shared>>
    tpu.enqueue_indirect_dma source(%dma_start3A_13 : memref<512x32xf32, #tpu.memory_space<vmem_shared>>) target(%dma_start3A_8 : memref<128x32xf32, #tpu.memory_space<vmem>>) offsets(%dma_start3A_10 : memref<128xi32, #tpu.memory_space<vmem>>) semaphore(%arg10 : memref<!tpu.dma_semaphore, #tpu.memory_space<semaphore_mem>>)
    %dma_start3A_14 = arith.constant 128 : i32
    %dma_start3A_15 = arith.constant 0 : i32
    %dma_start3A_16 = tpu.memref_slice %arg8[%dma_start3A_14, %dma_start3A_15] : memref<1024x32xf32, #tpu.memory_space<vmem>> -> memref<128x32xf32, #tpu.memory_space<vmem>>
    %dma_start3A_17 = arith.constant 128 : i32
    %dma_start3A_18 = tpu.memref_slice %arg6[%dma_start3A_17] : memref<1024xi32, #tpu.memory_space<vmem>> -> memref<128xi32, #tpu.memory_space<vmem>>
    %dma_start3A_19 = arith.constant 0 : i32
    %dma_start3A_20 = arith.constant 0 : i32
    %dma_start3A_21 = tpu.memref_slice %arg5[%dma_start3A_19, %dma_start3A_20] : memref<512x32xf32, #tpu.memory_space<vmem_shared>> -> memref<512x32xf32, #tpu.memory_space<vmem_shared>>
    tpu.enqueue_indirect_dma source(%dma_start3A_21 : memref<512x32xf32, #tpu.memory_space<vmem_shared>>) target(%dma_start3A_16 : memref<128x32xf32, #tpu.memory_space<vmem>>) offsets(%dma_start3A_18 : memref<128xi32, #tpu.memory_space<vmem>>) semaphore(%arg10 : memref<!tpu.dma_semaphore, #tpu.memory_space<semaphore_mem>>)
    %dma_start3A_22 = arith.constant 256 : i32
    %dma_start3A_23 = arith.constant 0 : i32
    %dma_start3A_24 = tpu.memref_slice %arg8[%dma_start3A_22, %dma_start3A_23] : memref<1024x32xf32, #tpu.memory_space<vmem>> -> memref<128x32xf32, #tpu.memory_space<vmem>>
    %dma_start3A_25 = arith.constant 256 : i32
    %dma_start3A_26 = tpu.memref_slice %arg6[%dma_start3A_25] : memref<1024xi32, #tpu.memory_space<vmem>> -> memref<128xi32, #tpu.memory_space<vmem>>
    %dma_start3A_27 = arith.constant 0 : i32
    %dma_start3A_28 = arith.constant 0 : i32
    %dma_start3A_29 = tpu.memref_slice %arg5[%dma_start3A_27, %dma_start3A_28] : memref<512x32xf32, #tpu.memory_space<vmem_shared>> -> memref<512x32xf32, #tpu.memory_space<vmem_shared>>
    tpu.enqueue_indirect_dma source(%dma_start3A_29 : memref<512x32xf32, #tpu.memory_space<vmem_shared>>) target(%dma_start3A_24 : memref<128x32xf32, #tpu.memory_space<vmem>>) offsets(%dma_start3A_26 : memref<128xi32, #tpu.memory_space<vmem>>) semaphore(%arg10 : memref<!tpu.dma_semaphore, #tpu.memory_space<semaphore_mem>>)
    %dma_start3A_30 = arith.constant 384 : i32
    %dma_start3A_31 = arith.constant 0 : i32
    %dma_start3A_32 = tpu.memref_slice %arg8[%dma_start3A_30, %dma_start3A_31] : memref<1024x32xf32, #tpu.memory_space<vmem>> -> memref<128x32xf32, #tpu.memory_space<vmem>>
    %dma_start3A_33 = arith.constant 384 : i32
    %dma_start3A_34 = tpu.memref_slice %arg6[%dma_start3A_33] : memref<1024xi32, #tpu.memory_space<vmem>> -> memref<128xi32, #tpu.memory_space<vmem>>
    %dma_start3A_35 = arith.constant 0 : i32
    %dma_start3A_36 = arith.constant 0 : i32
    %dma_start3A_37 = tpu.memref_slice %arg5[%dma_start3A_35, %dma_start3A_36] : memref<512x32xf32, #tpu.memory_space<vmem_shared>> -> memref<512x32xf32, #tpu.memory_space<vmem_shared>>
    tpu.enqueue_indirect_dma source(%dma_start3A_37 : memref<512x32xf32, #tpu.memory_space<vmem_shared>>) target(%dma_start3A_32 : memref<128x32xf32, #tpu.memory_space<vmem>>) offsets(%dma_start3A_34 : memref<128xi32, #tpu.memory_space<vmem>>) semaphore(%arg10 : memref<!tpu.dma_semaphore, #tpu.memory_space<semaphore_mem>>)
    %dma_start3A_38 = arith.constant 512 : i32
    %dma_start3A_39 = arith.constant 0 : i32
    %dma_start3A_40 = tpu.memref_slice %arg8[%dma_start3A_38, %dma_start3A_39] : memref<1024x32xf32, #tpu.memory_space<vmem>> -> memref<128x32xf32, #tpu.memory_space<vmem>>
    %dma_start3A_41 = arith.constant 512 : i32
    %dma_start3A_42 = tpu.memref_slice %arg6[%dma_start3A_41] : memref<1024xi32, #tpu.memory_space<vmem>> -> memref<128xi32, #tpu.memory_space<vmem>>
    %dma_start3A_43 = arith.constant 0 : i32
    %dma_start3A_44 = arith.constant 0 : i32
    %dma_start3A_45 = tpu.memref_slice %arg5[%dma_start3A_43, %dma_start3A_44] : memref<512x32xf32, #tpu.memory_space<vmem_shared>> -> memref<512x32xf32, #tpu.memory_space<vmem_shared>>
    tpu.enqueue_indirect_dma source(%dma_start3A_45 : memref<512x32xf32, #tpu.memory_space<vmem_shared>>) target(%dma_start3A_40 : memref<128x32xf32, #tpu.memory_space<vmem>>) offsets(%dma_start3A_42 : memref<128xi32, #tpu.memory_space<vmem>>) semaphore(%arg10 : memref<!tpu.dma_semaphore, #tpu.memory_space<semaphore_mem>>)
    %dma_start3A_46 = arith.constant 640 : i32
    %dma_start3A_47 = arith.constant 0 : i32
    %dma_start3A_48 = tpu.memref_slice %arg8[%dma_start3A_46, %dma_start3A_47] : memref<1024x32xf32, #tpu.memory_space<vmem>> -> memref<128x32xf32, #tpu.memory_space<vmem>>
    %dma_start3A_49 = arith.constant 640 : i32
    %dma_start3A_50 = tpu.memref_slice %arg6[%dma_start3A_49] : memref<1024xi32, #tpu.memory_space<vmem>> -> memref<128xi32, #tpu.memory_space<vmem>>
    %dma_start3A_51 = arith.constant 0 : i32
    %dma_start3A_52 = arith.constant 0 : i32
    %dma_start3A_53 = tpu.memref_slice %arg5[%dma_start3A_51, %dma_start3A_52] : memref<512x32xf32, #tpu.memory_space<vmem_shared>> -> memref<512x32xf32, #tpu.memory_space<vmem_shared>>
    tpu.enqueue_indirect_dma source(%dma_start3A_53 : memref<512x32xf32, #tpu.memory_space<vmem_shared>>) target(%dma_start3A_48 : memref<128x32xf32, #tpu.memory_space<vmem>>) offsets(%dma_start3A_50 : memref<128xi32, #tpu.memory_space<vmem>>) semaphore(%arg10 : memref<!tpu.dma_semaphore, #tpu.memory_space<semaphore_mem>>)
    %dma_start3A_54 = arith.constant 768 : i32
    %dma_start3A_55 = arith.constant 0 : i32
    %dma_start3A_56 = tpu.memref_slice %arg8[%dma_start3A_54, %dma_start3A_55] : memref<1024x32xf32, #tpu.memory_space<vmem>> -> memref<128x32xf32, #tpu.memory_space<vmem>>
    %dma_start3A_57 = arith.constant 768 : i32
    %dma_start3A_58 = tpu.memref_slice %arg6[%dma_start3A_57] : memref<1024xi32, #tpu.memory_space<vmem>> -> memref<128xi32, #tpu.memory_space<vmem>>
    %dma_start3A_59 = arith.constant 0 : i32
    %dma_start3A_60 = arith.constant 0 : i32
    %dma_start3A_61 = tpu.memref_slice %arg5[%dma_start3A_59, %dma_start3A_60] : memref<512x32xf32, #tpu.memory_space<vmem_shared>> -> memref<512x32xf32, #tpu.memory_space<vmem_shared>>
    tpu.enqueue_indirect_dma source(%dma_start3A_61 : memref<512x32xf32, #tpu.memory_space<vmem_shared>>) target(%dma_start3A_56 : memref<128x32xf32, #tpu.memory_space<vmem>>) offsets(%dma_start3A_58 : memref<128xi32, #tpu.memory_space<vmem>>) semaphore(%arg10 : memref<!tpu.dma_semaphore, #tpu.memory_space<semaphore_mem>>)
    %dma_start3A_62 = arith.constant 896 : i32
    %dma_start3A_63 = arith.constant 0 : i32
    %dma_start3A_64 = tpu.memref_slice %arg8[%dma_start3A_62, %dma_start3A_63] : memref<1024x32xf32, #tpu.memory_space<vmem>> -> memref<128x32xf32, #tpu.memory_space<vmem>>
    %dma_start3A_65 = arith.constant 896 : i32
    %dma_start3A_66 = tpu.memref_slice %arg6[%dma_start3A_65] : memref<1024xi32, #tpu.memory_space<vmem>> -> memref<128xi32, #tpu.memory_space<vmem>>
    %dma_start3A_67 = arith.constant 0 : i32
    %dma_start3A_68 = arith.constant 0 : i32
    %dma_start3A_69 = tpu.memref_slice %arg5[%dma_start3A_67, %dma_start3A_68] : memref<512x32xf32, #tpu.memory_space<vmem_shared>> -> memref<512x32xf32, #tpu.memory_space<vmem_shared>>
    tpu.enqueue_indirect_dma source(%dma_start3A_69 : memref<512x32xf32, #tpu.memory_space<vmem_shared>>) target(%dma_start3A_64 : memref<128x32xf32, #tpu.memory_space<vmem>>) offsets(%dma_start3A_66 : memref<128xi32, #tpu.memory_space<vmem>>) semaphore(%arg10 : memref<!tpu.dma_semaphore, #tpu.memory_space<semaphore_mem>>)
    %dma_wait3A = arith.constant 0 : i32
    %dma_wait3A_70 = arith.constant 0 : i32
    %dma_wait3A_71 = tpu.memref_slice %arg8[%dma_wait3A, %dma_wait3A_70] : memref<1024x32xf32, #tpu.memory_space<vmem>> -> memref<128x32xf32, #tpu.memory_space<vmem>>
    %dma_wait3A_72 = arith.constant 0 : i32
    %dma_wait3A_73 = tpu.memref_slice %arg6[%dma_wait3A_72] : memref<1024xi32, #tpu.memory_space<vmem>> -> memref<128xi32, #tpu.memory_space<vmem>>
    %dma_wait3A_74 = arith.constant 0 : i32
    %dma_wait3A_75 = arith.constant 0 : i32
    %dma_wait3A_76 = tpu.memref_slice %arg5[%dma_wait3A_74, %dma_wait3A_75] : memref<512x32xf32, #tpu.memory_space<vmem_shared>> -> memref<512x32xf32, #tpu.memory_space<vmem_shared>>
    tpu.wait_indirect_dma semaphore(%arg10 : memref<!tpu.dma_semaphore, #tpu.memory_space<semaphore_mem>>) src(%dma_wait3A_76 : memref<512x32xf32, #tpu.memory_space<vmem_shared>>) dst(%dma_wait3A_71 : memref<128x32xf32, #tpu.memory_space<vmem>>)
    %dma_wait3A_77 = arith.constant 128 : i32
    %dma_wait3A_78 = arith.constant 0 : i32
    %dma_wait3A_79 = tpu.memref_slice %arg8[%dma_wait3A_77, %dma_wait3A_78] : memref<1024x32xf32, #tpu.memory_space<vmem>> -> memref<128x32xf32, #tpu.memory_space<vmem>>
    %dma_wait3A_80 = arith.constant 128 : i32
    %dma_wait3A_81 = tpu.memref_slice %arg6[%dma_wait3A_80] : memref<1024xi32, #tpu.memory_space<vmem>> -> memref<128xi32, #tpu.memory_space<vmem>>
    %dma_wait3A_82 = arith.constant 0 : i32
    %dma_wait3A_83 = arith.constant 0 : i32
    %dma_wait3A_84 = tpu.memref_slice %arg5[%dma_wait3A_82, %dma_wait3A_83] : memref<512x32xf32, #tpu.memory_space<vmem_shared>> -> memref<512x32xf32, #tpu.memory_space<vmem_shared>>
    tpu.wait_indirect_dma semaphore(%arg10 : memref<!tpu.dma_semaphore, #tpu.memory_space<semaphore_mem>>) src(%dma_wait3A_84 : memref<512x32xf32, #tpu.memory_space<vmem_shared>>) dst(%dma_wait3A_79 : memref<128x32xf32, #tpu.memory_space<vmem>>)
    %dma_wait3A_85 = arith.constant 256 : i32
    %dma_wait3A_86 = arith.constant 0 : i32
    %dma_wait3A_87 = tpu.memref_slice %arg8[%dma_wait3A_85, %dma_wait3A_86] : memref<1024x32xf32, #tpu.memory_space<vmem>> -> memref<128x32xf32, #tpu.memory_space<vmem>>
    %dma_wait3A_88 = arith.constant 256 : i32
    %dma_wait3A_89 = tpu.memref_slice %arg6[%dma_wait3A_88] : memref<1024xi32, #tpu.memory_space<vmem>> -> memref<128xi32, #tpu.memory_space<vmem>>
    %dma_wait3A_90 = arith.constant 0 : i32
    %dma_wait3A_91 = arith.constant 0 : i32
    %dma_wait3A_92 = tpu.memref_slice %arg5[%dma_wait3A_90, %dma_wait3A_91] : memref<512x32xf32, #tpu.memory_space<vmem_shared>> -> memref<512x32xf32, #tpu.memory_space<vmem_shared>>
    tpu.wait_indirect_dma semaphore(%arg10 : memref<!tpu.dma_semaphore, #tpu.memory_space<semaphore_mem>>) src(%dma_wait3A_92 : memref<512x32xf32, #tpu.memory_space<vmem_shared>>) dst(%dma_wait3A_87 : memref<128x32xf32, #tpu.memory_space<vmem>>)
    %dma_wait3A_93 = arith.constant 384 : i32
    %dma_wait3A_94 = arith.constant 0 : i32
    %dma_wait3A_95 = tpu.memref_slice %arg8[%dma_wait3A_93, %dma_wait3A_94] : memref<1024x32xf32, #tpu.memory_space<vmem>> -> memref<128x32xf32, #tpu.memory_space<vmem>>
    %dma_wait3A_96 = arith.constant 384 : i32
    %dma_wait3A_97 = tpu.memref_slice %arg6[%dma_wait3A_96] : memref<1024xi32, #tpu.memory_space<vmem>> -> memref<128xi32, #tpu.memory_space<vmem>>
    %dma_wait3A_98 = arith.constant 0 : i32
    %dma_wait3A_99 = arith.constant 0 : i32
    %dma_wait3A_100 = tpu.memref_slice %arg5[%dma_wait3A_98, %dma_wait3A_99] : memref<512x32xf32, #tpu.memory_space<vmem_shared>> -> memref<512x32xf32, #tpu.memory_space<vmem_shared>>
    tpu.wait_indirect_dma semaphore(%arg10 : memref<!tpu.dma_semaphore, #tpu.memory_space<semaphore_mem>>) src(%dma_wait3A_100 : memref<512x32xf32, #tpu.memory_space<vmem_shared>>) dst(%dma_wait3A_95 : memref<128x32xf32, #tpu.memory_space<vmem>>)
    %dma_wait3A_101 = arith.constant 512 : i32
    %dma_wait3A_102 = arith.constant 0 : i32
    %dma_wait3A_103 = tpu.memref_slice %arg8[%dma_wait3A_101, %dma_wait3A_102] : memref<1024x32xf32, #tpu.memory_space<vmem>> -> memref<128x32xf32, #tpu.memory_space<vmem>>
    %dma_wait3A_104 = arith.constant 512 : i32
    %dma_wait3A_105 = tpu.memref_slice %arg6[%dma_wait3A_104] : memref<1024xi32, #tpu.memory_space<vmem>> -> memref<128xi32, #tpu.memory_space<vmem>>
    %dma_wait3A_106 = arith.constant 0 : i32
    %dma_wait3A_107 = arith.constant 0 : i32
    %dma_wait3A_108 = tpu.memref_slice %arg5[%dma_wait3A_106, %dma_wait3A_107] : memref<512x32xf32, #tpu.memory_space<vmem_shared>> -> memref<512x32xf32, #tpu.memory_space<vmem_shared>>
    tpu.wait_indirect_dma semaphore(%arg10 : memref<!tpu.dma_semaphore, #tpu.memory_space<semaphore_mem>>) src(%dma_wait3A_108 : memref<512x32xf32, #tpu.memory_space<vmem_shared>>) dst(%dma_wait3A_103 : memref<128x32xf32, #tpu.memory_space<vmem>>)
    %dma_wait3A_109 = arith.constant 640 : i32
    %dma_wait3A_110 = arith.constant 0 : i32
    %dma_wait3A_111 = tpu.memref_slice %arg8[%dma_wait3A_109, %dma_wait3A_110] : memref<1024x32xf32, #tpu.memory_space<vmem>> -> memref<128x32xf32, #tpu.memory_space<vmem>>
    %dma_wait3A_112 = arith.constant 640 : i32
    %dma_wait3A_113 = tpu.memref_slice %arg6[%dma_wait3A_112] : memref<1024xi32, #tpu.memory_space<vmem>> -> memref<128xi32, #tpu.memory_space<vmem>>
    %dma_wait3A_114 = arith.constant 0 : i32
    %dma_wait3A_115 = arith.constant 0 : i32
    %dma_wait3A_116 = tpu.memref_slice %arg5[%dma_wait3A_114, %dma_wait3A_115] : memref<512x32xf32, #tpu.memory_space<vmem_shared>> -> memref<512x32xf32, #tpu.memory_space<vmem_shared>>
    tpu.wait_indirect_dma semaphore(%arg10 : memref<!tpu.dma_semaphore, #tpu.memory_space<semaphore_mem>>) src(%dma_wait3A_116 : memref<512x32xf32, #tpu.memory_space<vmem_shared>>) dst(%dma_wait3A_111 : memref<128x32xf32, #tpu.memory_space<vmem>>)
    %dma_wait3A_117 = arith.constant 768 : i32
    %dma_wait3A_118 = arith.constant 0 : i32
    %dma_wait3A_119 = tpu.memref_slice %arg8[%dma_wait3A_117, %dma_wait3A_118] : memref<1024x32xf32, #tpu.memory_space<vmem>> -> memref<128x32xf32, #tpu.memory_space<vmem>>
    %dma_wait3A_120 = arith.constant 768 : i32
    %dma_wait3A_121 = tpu.memref_slice %arg6[%dma_wait3A_120] : memref<1024xi32, #tpu.memory_space<vmem>> -> memref<128xi32, #tpu.memory_space<vmem>>
    %dma_wait3A_122 = arith.constant 0 : i32
    %dma_wait3A_123 = arith.constant 0 : i32
    %dma_wait3A_124 = tpu.memref_slice %arg5[%dma_wait3A_122, %dma_wait3A_123] : memref<512x32xf32, #tpu.memory_space<vmem_shared>> -> memref<512x32xf32, #tpu.memory_space<vmem_shared>>
    tpu.wait_indirect_dma semaphore(%arg10 : memref<!tpu.dma_semaphore, #tpu.memory_space<semaphore_mem>>) src(%dma_wait3A_124 : memref<512x32xf32, #tpu.memory_space<vmem_shared>>) dst(%dma_wait3A_119 : memref<128x32xf32, #tpu.memory_space<vmem>>)
    %dma_wait3A_125 = arith.constant 896 : i32
    %dma_wait3A_126 = arith.constant 0 : i32
    %dma_wait3A_127 = tpu.memref_slice %arg8[%dma_wait3A_125, %dma_wait3A_126] : memref<1024x32xf32, #tpu.memory_space<vmem>> -> memref<128x32xf32, #tpu.memory_space<vmem>>
    %dma_wait3A_128 = arith.constant 896 : i32
    %dma_wait3A_129 = tpu.memref_slice %arg6[%dma_wait3A_128] : memref<1024xi32, #tpu.memory_space<vmem>> -> memref<128xi32, #tpu.memory_space<vmem>>
    %dma_wait3A_130 = arith.constant 0 : i32
    %dma_wait3A_131 = arith.constant 0 : i32
    %dma_wait3A_132 = tpu.memref_slice %arg5[%dma_wait3A_130, %dma_wait3A_131] : memref<512x32xf32, #tpu.memory_space<vmem_shared>> -> memref<512x32xf32, #tpu.memory_space<vmem_shared>>
    tpu.wait_indirect_dma semaphore(%arg10 : memref<!tpu.dma_semaphore, #tpu.memory_space<semaphore_mem>>) src(%dma_wait3A_132 : memref<512x32xf32, #tpu.memory_space<vmem_shared>>) dst(%dma_wait3A_127 : memref<128x32xf32, #tpu.memory_space<vmem>>)
    %dma_start3A_133 = arith.constant 0 : i32
    %dma_start3A_134 = tpu.memref_slice %arg4[%add3A_6, %dma_start3A_133] : memref<65536x32xf32, #tpu.memory_space<hbm>> -> memref<1024x32xf32, #tpu.memory_space<hbm>>
    %dma_start3A_135 = arith.constant 0 : i32
    %dma_start3A_136 = tpu.memref_slice %arg4[%add3A_6, %dma_start3A_135] : memref<65536x32xf32, #tpu.memory_space<hbm>> -> memref<1024x32xf32, #tpu.memory_space<hbm>>
    tpu.enqueue_dma source(%arg8 : memref<1024x32xf32, #tpu.memory_space<vmem>>) target(%dma_start3A_136 : memref<1024x32xf32, #tpu.memory_space<hbm>>) target_semaphore(%arg11 : memref<!tpu.dma_semaphore, #tpu.memory_space<semaphore_mem>>)
    %add3A_137 = arith.constant 1024 : i32
    %add3A_138 = arith.addi %mul3A_2, %add3A_137 : i32
    "tpu.region"() ({
      %run_scoped3A = tpu.sem_alloc : memref<!tpu.dma_semaphore, #tpu.memory_space<semaphore_mem>>
      %dma_start3A_279 = tpu.memref_slice %arg3[%add3A_138] : memref<65536xi32, #tpu.memory_space<hbm>> -> memref<1024xi32, #tpu.memory_space<hbm>>
      %dma_start3A_280 = tpu.memref_slice %arg3[%add3A_138] : memref<65536xi32, #tpu.memory_space<hbm>> -> memref<1024xi32, #tpu.memory_space<hbm>>
      tpu.enqueue_dma source(%dma_start3A_280 : memref<1024xi32, #tpu.memory_space<hbm>>) target(%arg7 : memref<1024xi32, #tpu.memory_space<vmem>>) target_semaphore(%run_scoped3A : memref<!tpu.dma_semaphore, #tpu.memory_space<semaphore_mem>>)
      %dma_wait3A_281 = tpu.memref_slice %arg3[%add3A_138] : memref<65536xi32, #tpu.memory_space<hbm>> -> memref<1024xi32, #tpu.memory_space<hbm>>
      %dma_wait3A_282 = tpu.memref_slice %arg3[%add3A_138] : memref<65536xi32, #tpu.memory_space<hbm>> -> memref<1024xi32, #tpu.memory_space<hbm>>
      tpu.wait_dma2 semaphore(%run_scoped3A : memref<!tpu.dma_semaphore, #tpu.memory_space<semaphore_mem>>) src(%dma_wait3A_282 : memref<1024xi32, #tpu.memory_space<hbm>>) dst(%arg7 : memref<1024xi32, #tpu.memory_space<vmem>>)
      tpu.yield
    }) : () -> ()
    %dma_start3A_139 = arith.constant 0 : i32
    %dma_start3A_140 = arith.constant 0 : i32
    %dma_start3A_141 = tpu.memref_slice %arg9[%dma_start3A_139, %dma_start3A_140] : memref<1024x32xf32, #tpu.memory_space<vmem>> -> memref<128x32xf32, #tpu.memory_space<vmem>>
    %dma_start3A_142 = arith.constant 0 : i32
    %dma_start3A_143 = tpu.memref_slice %arg7[%dma_start3A_142] : memref<1024xi32, #tpu.memory_space<vmem>> -> memref<128xi32, #tpu.memory_space<vmem>>
    %dma_start3A_144 = arith.constant 0 : i32
    %dma_start3A_145 = arith.constant 0 : i32
    %dma_start3A_146 = tpu.memref_slice %arg5[%dma_start3A_144, %dma_start3A_145] : memref<512x32xf32, #tpu.memory_space<vmem_shared>> -> memref<512x32xf32, #tpu.memory_space<vmem_shared>>
    tpu.enqueue_indirect_dma source(%dma_start3A_146 : memref<512x32xf32, #tpu.memory_space<vmem_shared>>) target(%dma_start3A_141 : memref<128x32xf32, #tpu.memory_space<vmem>>) offsets(%dma_start3A_143 : memref<128xi32, #tpu.memory_space<vmem>>) semaphore(%arg10 : memref<!tpu.dma_semaphore, #tpu.memory_space<semaphore_mem>>)
    %dma_start3A_147 = arith.constant 128 : i32
    %dma_start3A_148 = arith.constant 0 : i32
    %dma_start3A_149 = tpu.memref_slice %arg9[%dma_start3A_147, %dma_start3A_148] : memref<1024x32xf32, #tpu.memory_space<vmem>> -> memref<128x32xf32, #tpu.memory_space<vmem>>
    %dma_start3A_150 = arith.constant 128 : i32
    %dma_start3A_151 = tpu.memref_slice %arg7[%dma_start3A_150] : memref<1024xi32, #tpu.memory_space<vmem>> -> memref<128xi32, #tpu.memory_space<vmem>>
    %dma_start3A_152 = arith.constant 0 : i32
    %dma_start3A_153 = arith.constant 0 : i32
    %dma_start3A_154 = tpu.memref_slice %arg5[%dma_start3A_152, %dma_start3A_153] : memref<512x32xf32, #tpu.memory_space<vmem_shared>> -> memref<512x32xf32, #tpu.memory_space<vmem_shared>>
    tpu.enqueue_indirect_dma source(%dma_start3A_154 : memref<512x32xf32, #tpu.memory_space<vmem_shared>>) target(%dma_start3A_149 : memref<128x32xf32, #tpu.memory_space<vmem>>) offsets(%dma_start3A_151 : memref<128xi32, #tpu.memory_space<vmem>>) semaphore(%arg10 : memref<!tpu.dma_semaphore, #tpu.memory_space<semaphore_mem>>)
    %dma_start3A_155 = arith.constant 256 : i32
    %dma_start3A_156 = arith.constant 0 : i32
    %dma_start3A_157 = tpu.memref_slice %arg9[%dma_start3A_155, %dma_start3A_156] : memref<1024x32xf32, #tpu.memory_space<vmem>> -> memref<128x32xf32, #tpu.memory_space<vmem>>
    %dma_start3A_158 = arith.constant 256 : i32
    %dma_start3A_159 = tpu.memref_slice %arg7[%dma_start3A_158] : memref<1024xi32, #tpu.memory_space<vmem>> -> memref<128xi32, #tpu.memory_space<vmem>>
    %dma_start3A_160 = arith.constant 0 : i32
    %dma_start3A_161 = arith.constant 0 : i32
    %dma_start3A_162 = tpu.memref_slice %arg5[%dma_start3A_160, %dma_start3A_161] : memref<512x32xf32, #tpu.memory_space<vmem_shared>> -> memref<512x32xf32, #tpu.memory_space<vmem_shared>>
    tpu.enqueue_indirect_dma source(%dma_start3A_162 : memref<512x32xf32, #tpu.memory_space<vmem_shared>>) target(%dma_start3A_157 : memref<128x32xf32, #tpu.memory_space<vmem>>) offsets(%dma_start3A_159 : memref<128xi32, #tpu.memory_space<vmem>>) semaphore(%arg10 : memref<!tpu.dma_semaphore, #tpu.memory_space<semaphore_mem>>)
    %dma_start3A_163 = arith.constant 384 : i32
    %dma_start3A_164 = arith.constant 0 : i32
    %dma_start3A_165 = tpu.memref_slice %arg9[%dma_start3A_163, %dma_start3A_164] : memref<1024x32xf32, #tpu.memory_space<vmem>> -> memref<128x32xf32, #tpu.memory_space<vmem>>
    %dma_start3A_166 = arith.constant 384 : i32
    %dma_start3A_167 = tpu.memref_slice %arg7[%dma_start3A_166] : memref<1024xi32, #tpu.memory_space<vmem>> -> memref<128xi32, #tpu.memory_space<vmem>>
    %dma_start3A_168 = arith.constant 0 : i32
    %dma_start3A_169 = arith.constant 0 : i32
    %dma_start3A_170 = tpu.memref_slice %arg5[%dma_start3A_168, %dma_start3A_169] : memref<512x32xf32, #tpu.memory_space<vmem_shared>> -> memref<512x32xf32, #tpu.memory_space<vmem_shared>>
    tpu.enqueue_indirect_dma source(%dma_start3A_170 : memref<512x32xf32, #tpu.memory_space<vmem_shared>>) target(%dma_start3A_165 : memref<128x32xf32, #tpu.memory_space<vmem>>) offsets(%dma_start3A_167 : memref<128xi32, #tpu.memory_space<vmem>>) semaphore(%arg10 : memref<!tpu.dma_semaphore, #tpu.memory_space<semaphore_mem>>)
    %dma_start3A_171 = arith.constant 512 : i32
    %dma_start3A_172 = arith.constant 0 : i32
    %dma_start3A_173 = tpu.memref_slice %arg9[%dma_start3A_171, %dma_start3A_172] : memref<1024x32xf32, #tpu.memory_space<vmem>> -> memref<128x32xf32, #tpu.memory_space<vmem>>
    %dma_start3A_174 = arith.constant 512 : i32
    %dma_start3A_175 = tpu.memref_slice %arg7[%dma_start3A_174] : memref<1024xi32, #tpu.memory_space<vmem>> -> memref<128xi32, #tpu.memory_space<vmem>>
    %dma_start3A_176 = arith.constant 0 : i32
    %dma_start3A_177 = arith.constant 0 : i32
    %dma_start3A_178 = tpu.memref_slice %arg5[%dma_start3A_176, %dma_start3A_177] : memref<512x32xf32, #tpu.memory_space<vmem_shared>> -> memref<512x32xf32, #tpu.memory_space<vmem_shared>>
    tpu.enqueue_indirect_dma source(%dma_start3A_178 : memref<512x32xf32, #tpu.memory_space<vmem_shared>>) target(%dma_start3A_173 : memref<128x32xf32, #tpu.memory_space<vmem>>) offsets(%dma_start3A_175 : memref<128xi32, #tpu.memory_space<vmem>>) semaphore(%arg10 : memref<!tpu.dma_semaphore, #tpu.memory_space<semaphore_mem>>)
    %dma_start3A_179 = arith.constant 640 : i32
    %dma_start3A_180 = arith.constant 0 : i32
    %dma_start3A_181 = tpu.memref_slice %arg9[%dma_start3A_179, %dma_start3A_180] : memref<1024x32xf32, #tpu.memory_space<vmem>> -> memref<128x32xf32, #tpu.memory_space<vmem>>
    %dma_start3A_182 = arith.constant 640 : i32
    %dma_start3A_183 = tpu.memref_slice %arg7[%dma_start3A_182] : memref<1024xi32, #tpu.memory_space<vmem>> -> memref<128xi32, #tpu.memory_space<vmem>>
    %dma_start3A_184 = arith.constant 0 : i32
    %dma_start3A_185 = arith.constant 0 : i32
    %dma_start3A_186 = tpu.memref_slice %arg5[%dma_start3A_184, %dma_start3A_185] : memref<512x32xf32, #tpu.memory_space<vmem_shared>> -> memref<512x32xf32, #tpu.memory_space<vmem_shared>>
    tpu.enqueue_indirect_dma source(%dma_start3A_186 : memref<512x32xf32, #tpu.memory_space<vmem_shared>>) target(%dma_start3A_181 : memref<128x32xf32, #tpu.memory_space<vmem>>) offsets(%dma_start3A_183 : memref<128xi32, #tpu.memory_space<vmem>>) semaphore(%arg10 : memref<!tpu.dma_semaphore, #tpu.memory_space<semaphore_mem>>)
    %dma_start3A_187 = arith.constant 768 : i32
    %dma_start3A_188 = arith.constant 0 : i32
    %dma_start3A_189 = tpu.memref_slice %arg9[%dma_start3A_187, %dma_start3A_188] : memref<1024x32xf32, #tpu.memory_space<vmem>> -> memref<128x32xf32, #tpu.memory_space<vmem>>
    %dma_start3A_190 = arith.constant 768 : i32
    %dma_start3A_191 = tpu.memref_slice %arg7[%dma_start3A_190] : memref<1024xi32, #tpu.memory_space<vmem>> -> memref<128xi32, #tpu.memory_space<vmem>>
    %dma_start3A_192 = arith.constant 0 : i32
    %dma_start3A_193 = arith.constant 0 : i32
    %dma_start3A_194 = tpu.memref_slice %arg5[%dma_start3A_192, %dma_start3A_193] : memref<512x32xf32, #tpu.memory_space<vmem_shared>> -> memref<512x32xf32, #tpu.memory_space<vmem_shared>>
    tpu.enqueue_indirect_dma source(%dma_start3A_194 : memref<512x32xf32, #tpu.memory_space<vmem_shared>>) target(%dma_start3A_189 : memref<128x32xf32, #tpu.memory_space<vmem>>) offsets(%dma_start3A_191 : memref<128xi32, #tpu.memory_space<vmem>>) semaphore(%arg10 : memref<!tpu.dma_semaphore, #tpu.memory_space<semaphore_mem>>)
    %dma_start3A_195 = arith.constant 896 : i32
    %dma_start3A_196 = arith.constant 0 : i32
    %dma_start3A_197 = tpu.memref_slice %arg9[%dma_start3A_195, %dma_start3A_196] : memref<1024x32xf32, #tpu.memory_space<vmem>> -> memref<128x32xf32, #tpu.memory_space<vmem>>
    %dma_start3A_198 = arith.constant 896 : i32
    %dma_start3A_199 = tpu.memref_slice %arg7[%dma_start3A_198] : memref<1024xi32, #tpu.memory_space<vmem>> -> memref<128xi32, #tpu.memory_space<vmem>>
    %dma_start3A_200 = arith.constant 0 : i32
    %dma_start3A_201 = arith.constant 0 : i32
    %dma_start3A_202 = tpu.memref_slice %arg5[%dma_start3A_200, %dma_start3A_201] : memref<512x32xf32, #tpu.memory_space<vmem_shared>> -> memref<512x32xf32, #tpu.memory_space<vmem_shared>>
    tpu.enqueue_indirect_dma source(%dma_start3A_202 : memref<512x32xf32, #tpu.memory_space<vmem_shared>>) target(%dma_start3A_197 : memref<128x32xf32, #tpu.memory_space<vmem>>) offsets(%dma_start3A_199 : memref<128xi32, #tpu.memory_space<vmem>>) semaphore(%arg10 : memref<!tpu.dma_semaphore, #tpu.memory_space<semaphore_mem>>)
    %dma_wait3A_203 = arith.constant 0 : i32
    %dma_wait3A_204 = arith.constant 0 : i32
    %dma_wait3A_205 = tpu.memref_slice %arg9[%dma_wait3A_203, %dma_wait3A_204] : memref<1024x32xf32, #tpu.memory_space<vmem>> -> memref<128x32xf32, #tpu.memory_space<vmem>>
    %dma_wait3A_206 = arith.constant 0 : i32
    %dma_wait3A_207 = tpu.memref_slice %arg7[%dma_wait3A_206] : memref<1024xi32, #tpu.memory_space<vmem>> -> memref<128xi32, #tpu.memory_space<vmem>>
    %dma_wait3A_208 = arith.constant 0 : i32
    %dma_wait3A_209 = arith.constant 0 : i32
    %dma_wait3A_210 = tpu.memref_slice %arg5[%dma_wait3A_208, %dma_wait3A_209] : memref<512x32xf32, #tpu.memory_space<vmem_shared>> -> memref<512x32xf32, #tpu.memory_space<vmem_shared>>
    tpu.wait_indirect_dma semaphore(%arg10 : memref<!tpu.dma_semaphore, #tpu.memory_space<semaphore_mem>>) src(%dma_wait3A_210 : memref<512x32xf32, #tpu.memory_space<vmem_shared>>) dst(%dma_wait3A_205 : memref<128x32xf32, #tpu.memory_space<vmem>>)
    %dma_wait3A_211 = arith.constant 128 : i32
    %dma_wait3A_212 = arith.constant 0 : i32
    %dma_wait3A_213 = tpu.memref_slice %arg9[%dma_wait3A_211, %dma_wait3A_212] : memref<1024x32xf32, #tpu.memory_space<vmem>> -> memref<128x32xf32, #tpu.memory_space<vmem>>
    %dma_wait3A_214 = arith.constant 128 : i32
    %dma_wait3A_215 = tpu.memref_slice %arg7[%dma_wait3A_214] : memref<1024xi32, #tpu.memory_space<vmem>> -> memref<128xi32, #tpu.memory_space<vmem>>
    %dma_wait3A_216 = arith.constant 0 : i32
    %dma_wait3A_217 = arith.constant 0 : i32
    %dma_wait3A_218 = tpu.memref_slice %arg5[%dma_wait3A_216, %dma_wait3A_217] : memref<512x32xf32, #tpu.memory_space<vmem_shared>> -> memref<512x32xf32, #tpu.memory_space<vmem_shared>>
    tpu.wait_indirect_dma semaphore(%arg10 : memref<!tpu.dma_semaphore, #tpu.memory_space<semaphore_mem>>) src(%dma_wait3A_218 : memref<512x32xf32, #tpu.memory_space<vmem_shared>>) dst(%dma_wait3A_213 : memref<128x32xf32, #tpu.memory_space<vmem>>)
    %dma_wait3A_219 = arith.constant 256 : i32
    %dma_wait3A_220 = arith.constant 0 : i32
    %dma_wait3A_221 = tpu.memref_slice %arg9[%dma_wait3A_219, %dma_wait3A_220] : memref<1024x32xf32, #tpu.memory_space<vmem>> -> memref<128x32xf32, #tpu.memory_space<vmem>>
    %dma_wait3A_222 = arith.constant 256 : i32
    %dma_wait3A_223 = tpu.memref_slice %arg7[%dma_wait3A_222] : memref<1024xi32, #tpu.memory_space<vmem>> -> memref<128xi32, #tpu.memory_space<vmem>>
    %dma_wait3A_224 = arith.constant 0 : i32
    %dma_wait3A_225 = arith.constant 0 : i32
    %dma_wait3A_226 = tpu.memref_slice %arg5[%dma_wait3A_224, %dma_wait3A_225] : memref<512x32xf32, #tpu.memory_space<vmem_shared>> -> memref<512x32xf32, #tpu.memory_space<vmem_shared>>
    tpu.wait_indirect_dma semaphore(%arg10 : memref<!tpu.dma_semaphore, #tpu.memory_space<semaphore_mem>>) src(%dma_wait3A_226 : memref<512x32xf32, #tpu.memory_space<vmem_shared>>) dst(%dma_wait3A_221 : memref<128x32xf32, #tpu.memory_space<vmem>>)
    %dma_wait3A_227 = arith.constant 384 : i32
    %dma_wait3A_228 = arith.constant 0 : i32
    %dma_wait3A_229 = tpu.memref_slice %arg9[%dma_wait3A_227, %dma_wait3A_228] : memref<1024x32xf32, #tpu.memory_space<vmem>> -> memref<128x32xf32, #tpu.memory_space<vmem>>
    %dma_wait3A_230 = arith.constant 384 : i32
    %dma_wait3A_231 = tpu.memref_slice %arg7[%dma_wait3A_230] : memref<1024xi32, #tpu.memory_space<vmem>> -> memref<128xi32, #tpu.memory_space<vmem>>
    %dma_wait3A_232 = arith.constant 0 : i32
    %dma_wait3A_233 = arith.constant 0 : i32
    %dma_wait3A_234 = tpu.memref_slice %arg5[%dma_wait3A_232, %dma_wait3A_233] : memref<512x32xf32, #tpu.memory_space<vmem_shared>> -> memref<512x32xf32, #tpu.memory_space<vmem_shared>>
    tpu.wait_indirect_dma semaphore(%arg10 : memref<!tpu.dma_semaphore, #tpu.memory_space<semaphore_mem>>) src(%dma_wait3A_234 : memref<512x32xf32, #tpu.memory_space<vmem_shared>>) dst(%dma_wait3A_229 : memref<128x32xf32, #tpu.memory_space<vmem>>)
    %dma_wait3A_235 = arith.constant 512 : i32
    %dma_wait3A_236 = arith.constant 0 : i32
    %dma_wait3A_237 = tpu.memref_slice %arg9[%dma_wait3A_235, %dma_wait3A_236] : memref<1024x32xf32, #tpu.memory_space<vmem>> -> memref<128x32xf32, #tpu.memory_space<vmem>>
    %dma_wait3A_238 = arith.constant 512 : i32
    %dma_wait3A_239 = tpu.memref_slice %arg7[%dma_wait3A_238] : memref<1024xi32, #tpu.memory_space<vmem>> -> memref<128xi32, #tpu.memory_space<vmem>>
    %dma_wait3A_240 = arith.constant 0 : i32
    %dma_wait3A_241 = arith.constant 0 : i32
    %dma_wait3A_242 = tpu.memref_slice %arg5[%dma_wait3A_240, %dma_wait3A_241] : memref<512x32xf32, #tpu.memory_space<vmem_shared>> -> memref<512x32xf32, #tpu.memory_space<vmem_shared>>
    tpu.wait_indirect_dma semaphore(%arg10 : memref<!tpu.dma_semaphore, #tpu.memory_space<semaphore_mem>>) src(%dma_wait3A_242 : memref<512x32xf32, #tpu.memory_space<vmem_shared>>) dst(%dma_wait3A_237 : memref<128x32xf32, #tpu.memory_space<vmem>>)
    %dma_wait3A_243 = arith.constant 640 : i32
    %dma_wait3A_244 = arith.constant 0 : i32
    %dma_wait3A_245 = tpu.memref_slice %arg9[%dma_wait3A_243, %dma_wait3A_244] : memref<1024x32xf32, #tpu.memory_space<vmem>> -> memref<128x32xf32, #tpu.memory_space<vmem>>
    %dma_wait3A_246 = arith.constant 640 : i32
    %dma_wait3A_247 = tpu.memref_slice %arg7[%dma_wait3A_246] : memref<1024xi32, #tpu.memory_space<vmem>> -> memref<128xi32, #tpu.memory_space<vmem>>
    %dma_wait3A_248 = arith.constant 0 : i32
    %dma_wait3A_249 = arith.constant 0 : i32
    %dma_wait3A_250 = tpu.memref_slice %arg5[%dma_wait3A_248, %dma_wait3A_249] : memref<512x32xf32, #tpu.memory_space<vmem_shared>> -> memref<512x32xf32, #tpu.memory_space<vmem_shared>>
    tpu.wait_indirect_dma semaphore(%arg10 : memref<!tpu.dma_semaphore, #tpu.memory_space<semaphore_mem>>) src(%dma_wait3A_250 : memref<512x32xf32, #tpu.memory_space<vmem_shared>>) dst(%dma_wait3A_245 : memref<128x32xf32, #tpu.memory_space<vmem>>)
    %dma_wait3A_251 = arith.constant 768 : i32
    %dma_wait3A_252 = arith.constant 0 : i32
    %dma_wait3A_253 = tpu.memref_slice %arg9[%dma_wait3A_251, %dma_wait3A_252] : memref<1024x32xf32, #tpu.memory_space<vmem>> -> memref<128x32xf32, #tpu.memory_space<vmem>>
    %dma_wait3A_254 = arith.constant 768 : i32
    %dma_wait3A_255 = tpu.memref_slice %arg7[%dma_wait3A_254] : memref<1024xi32, #tpu.memory_space<vmem>> -> memref<128xi32, #tpu.memory_space<vmem>>
    %dma_wait3A_256 = arith.constant 0 : i32
    %dma_wait3A_257 = arith.constant 0 : i32
    %dma_wait3A_258 = tpu.memref_slice %arg5[%dma_wait3A_256, %dma_wait3A_257] : memref<512x32xf32, #tpu.memory_space<vmem_shared>> -> memref<512x32xf32, #tpu.memory_space<vmem_shared>>
    tpu.wait_indirect_dma semaphore(%arg10 : memref<!tpu.dma_semaphore, #tpu.memory_space<semaphore_mem>>) src(%dma_wait3A_258 : memref<512x32xf32, #tpu.memory_space<vmem_shared>>) dst(%dma_wait3A_253 : memref<128x32xf32, #tpu.memory_space<vmem>>)
    %dma_wait3A_259 = arith.constant 896 : i32
    %dma_wait3A_260 = arith.constant 0 : i32
    %dma_wait3A_261 = tpu.memref_slice %arg9[%dma_wait3A_259, %dma_wait3A_260] : memref<1024x32xf32, #tpu.memory_space<vmem>> -> memref<128x32xf32, #tpu.memory_space<vmem>>
    %dma_wait3A_262 = arith.constant 896 : i32
    %dma_wait3A_263 = tpu.memref_slice %arg7[%dma_wait3A_262] : memref<1024xi32, #tpu.memory_space<vmem>> -> memref<128xi32, #tpu.memory_space<vmem>>
    %dma_wait3A_264 = arith.constant 0 : i32
    %dma_wait3A_265 = arith.constant 0 : i32
    %dma_wait3A_266 = tpu.memref_slice %arg5[%dma_wait3A_264, %dma_wait3A_265] : memref<512x32xf32, #tpu.memory_space<vmem_shared>> -> memref<512x32xf32, #tpu.memory_space<vmem_shared>>
    tpu.wait_indirect_dma semaphore(%arg10 : memref<!tpu.dma_semaphore, #tpu.memory_space<semaphore_mem>>) src(%dma_wait3A_266 : memref<512x32xf32, #tpu.memory_space<vmem_shared>>) dst(%dma_wait3A_261 : memref<128x32xf32, #tpu.memory_space<vmem>>)
    %dma_start3A_267 = arith.constant 0 : i32
    %dma_start3A_268 = tpu.memref_slice %arg4[%add3A_138, %dma_start3A_267] : memref<65536x32xf32, #tpu.memory_space<hbm>> -> memref<1024x32xf32, #tpu.memory_space<hbm>>
    %dma_start3A_269 = arith.constant 0 : i32
    %dma_start3A_270 = tpu.memref_slice %arg4[%add3A_138, %dma_start3A_269] : memref<65536x32xf32, #tpu.memory_space<hbm>> -> memref<1024x32xf32, #tpu.memory_space<hbm>>
    tpu.enqueue_dma source(%arg9 : memref<1024x32xf32, #tpu.memory_space<vmem>>) target(%dma_start3A_270 : memref<1024x32xf32, #tpu.memory_space<hbm>>) target_semaphore(%arg12 : memref<!tpu.dma_semaphore, #tpu.memory_space<semaphore_mem>>)
    %dma_wait3A_271 = arith.constant 0 : i32
    %dma_wait3A_272 = tpu.memref_slice %arg4[%add3A_6, %dma_wait3A_271] : memref<65536x32xf32, #tpu.memory_space<hbm>> -> memref<1024x32xf32, #tpu.memory_space<hbm>>
    %dma_wait3A_273 = arith.constant 0 : i32
    %dma_wait3A_274 = tpu.memref_slice %arg4[%add3A_6, %dma_wait3A_273] : memref<65536x32xf32, #tpu.memory_space<hbm>> -> memref<1024x32xf32, #tpu.memory_space<hbm>>
    tpu.wait_dma2 semaphore(%arg11 : memref<!tpu.dma_semaphore, #tpu.memory_space<semaphore_mem>>) src(%arg8 : memref<1024x32xf32, #tpu.memory_space<vmem>>) dst(%dma_wait3A_274 : memref<1024x32xf32, #tpu.memory_space<hbm>>)
    %dma_wait3A_275 = arith.constant 0 : i32
    %dma_wait3A_276 = tpu.memref_slice %arg4[%add3A_138, %dma_wait3A_275] : memref<65536x32xf32, #tpu.memory_space<hbm>> -> memref<1024x32xf32, #tpu.memory_space<hbm>>
    %dma_wait3A_277 = arith.constant 0 : i32
    %dma_wait3A_278 = tpu.memref_slice %arg4[%add3A_138, %dma_wait3A_277] : memref<65536x32xf32, #tpu.memory_space<hbm>> -> memref<1024x32xf32, #tpu.memory_space<hbm>>
    tpu.wait_dma2 semaphore(%arg12 : memref<!tpu.dma_semaphore, #tpu.memory_space<semaphore_mem>>) src(%arg9 : memref<1024x32xf32, #tpu.memory_space<vmem>>) dst(%dma_wait3A_278 : memref<1024x32xf32, #tpu.memory_space<hbm>>)
    return
  }
}

module attributes {stable_mosaic.version = 14 : i64} {
  func.func @_argmin_body(%arg0: i32, %arg1: memref<32x4096xf32, #tpu.memory_space<vmem>>, %arg2: memref<512x32xf32, #tpu.memory_space<vmem>>, %arg3: memref<1x1x4096xi32, #tpu.memory_space<vmem>>, %arg4: memref<1x1x128xf32, #tpu.memory_space<vmem>>) attributes {dimension_semantics = [#tpu.dimension_semantics<arbitrary>], iteration_bounds = array<i64: 16>, scalar_prefetch = 0 : i64, scratch_operands = 0 : i64, tpu.core_type = #tpu.core_type<tc>, window_params = [{transform_indices = @transform_0, window_bounds = array<i64: 32, 4096>}, {pipeline_mode = #tpu.pipeline_mode<synchronous>, transform_indices = @transform_1, window_bounds = array<i64: 512, 32>}, {transform_indices = @transform_2, window_bounds = array<i64: 1, 1, 4096>}, {transform_indices = @transform_3, window_bounds = array<i64: 1, 1, 128>}]} {
    %get3A = arith.constant 0 : index
    %get3A_0 = arith.constant 0 : index
    %get3A_1 = vector.load %arg1[%get3A, %get3A_0] : memref<32x4096xf32, #tpu.memory_space<vmem>>, vector<32x4096xf32>
    %get3A_2 = arith.constant 0 : index
    %get3A_3 = arith.constant 0 : index
    %get3A_4 = vector.load %arg2[%get3A_2, %get3A_3] : memref<512x32xf32, #tpu.memory_space<vmem>>, vector<512x32xf32>
    %mul3A = arith.mulf %get3A_1, %get3A_1 : vector<32x4096xf32>
    %reduce_sum3A = arith.constant dense<0.000000e+00> : vector<4096xf32>
    %reduce_sum3A_5 = vector.multi_reduction <add>, %mul3A, %reduce_sum3A [0] : vector<32x4096xf32> to vector<4096xf32>
    %broadcast_in_dim3A = vector.shape_cast %reduce_sum3A_5 : vector<4096xf32> to vector<1x4096xf32>
    %mul3A_6 = arith.mulf %get3A_4, %get3A_4 : vector<512x32xf32>
    %reduce_sum3A_7 = arith.constant dense<0.000000e+00> : vector<512xf32>
    %reduce_sum3A_8 = vector.multi_reduction <add>, %mul3A_6, %reduce_sum3A_7 [1] : vector<512x32xf32> to vector<512xf32>
    %broadcast_in_dim3A_9 = vector.shape_cast %reduce_sum3A_8 : vector<512xf32> to vector<512x1xf32>
    %mul3A_10 = arith.constant 2.500000e-01 : f32
    %mul3A_11 = vector.broadcast %mul3A_10 : f32 to vector<512x1xf32>
    %mul3A_12 = arith.mulf %mul3A_11, %broadcast_in_dim3A_9 : vector<512x1xf32>
    %dot_general3A = arith.constant dense<0.000000e+00> : vector<512x4096xf32>
    %dot_general3A_13 = tpu.matmul %get3A_4, %get3A_1, %dot_general3A {dimension_numbers = #tpu.dot_dimension_numbers<[1], [0], [0], [1], [0, 0, 1, 1], [], []>, transpose_lhs_hint = false} : vector<512x32xf32>, vector<32x4096xf32>, vector<512x4096xf32> -> vector<512x4096xf32>
    %add3A = vector.broadcast %broadcast_in_dim3A : vector<1x4096xf32> to vector<512x4096xf32>
    %add3A_14 = arith.addf %add3A, %dot_general3A_13 : vector<512x4096xf32>
    %add3A_15 = vector.broadcast %mul3A_12 : vector<512x1xf32> to vector<512x4096xf32>
    %add3A_16 = arith.addf %add3A_14, %add3A_15 : vector<512x4096xf32>
    %reduce_min3A = arith.constant dense<0x7F800000> : vector<4096xf32>
    %reduce_min3A_17 = vector.multi_reduction <minimumf>, %add3A_16, %reduce_min3A [0] : vector<512x4096xf32> to vector<4096xf32>
    %broadcast_in_dim3A_18 = vector.shape_cast %reduce_min3A_17 : vector<4096xf32> to vector<1x4096xf32>
    %eq3A = vector.broadcast %broadcast_in_dim3A_18 : vector<1x4096xf32> to vector<512x4096xf32>
    %eq3A_19 = arith.cmpf oeq, %add3A_16, %eq3A : vector<512x4096xf32>
    %jit3A = arith.constant 1.000000e+00 : f32
    %jit3A_20 = arith.constant 0.000000e+00 : f32
    %broadcast_in_dim3A_21 = vector.broadcast %jit3A : f32 to vector<512x4096xf32>
    %broadcast_in_dim3A_22 = vector.broadcast %jit3A_20 : f32 to vector<512x4096xf32>
    %select_n3A = arith.select %eq3A_19, %broadcast_in_dim3A_21, %broadcast_in_dim3A_22 : vector<512x4096xi1>, vector<512x4096xf32>
    %iota3A = tpu.iota {dimensions = array<i32: 1>} : vector<2x512xi32>
    %iota3A_23 = tpu.iota {dimensions = array<i32: 0>} : vector<2x512xi32>
    %eq3A_24 = arith.constant 0 : i32
    %eq3A_25 = vector.broadcast %eq3A_24 : i32 to vector<2x512xi32>
    %eq3A_26 = arith.cmpi eq, %iota3A_23, %eq3A_25 : vector<2x512xi32>
    %shift_right_arithmetic3A = arith.constant 8 : i32
    %shift_right_arithmetic3A_27 = vector.broadcast %shift_right_arithmetic3A : i32 to vector<2x512xi32>
    %shift_right_arithmetic3A_28 = arith.shrsi %iota3A, %shift_right_arithmetic3A_27 : vector<2x512xi32>
    %and3A = arith.constant 255 : i32
    %and3A_29 = vector.broadcast %and3A : i32 to vector<2x512xi32>
    %and3A_30 = arith.andi %iota3A, %and3A_29 : vector<2x512xi32>
    %select_n3A_31 = arith.select %eq3A_26, %shift_right_arithmetic3A_28, %and3A_30 : vector<2x512xi1>, vector<2x512xi32>
    %convert_element_type3A = arith.sitofp %select_n3A_31 : vector<2x512xi32> to vector<2x512xf32>
    %dot_general3A_32 = arith.constant dense<0.000000e+00> : vector<2x4096xf32>
    %dot_general3A_33 = tpu.matmul %convert_element_type3A, %select_n3A, %dot_general3A_32 {dimension_numbers = #tpu.dot_dimension_numbers<[1], [0], [0], [1], [0, 0, 1, 1], [], []>, transpose_lhs_hint = false} : vector<2x512xf32>, vector<512x4096xf32>, vector<2x4096xf32> -> vector<2x4096xf32>
    %slice3A = vector.extract_strided_slice %dot_general3A_33 {offsets = [0, 0], sizes = [1, 4096], strides = [1, 1]} : vector<2x4096xf32> to vector<1x4096xf32>
    %mul3A_34 = arith.constant 2.560000e+02 : f32
    %mul3A_35 = vector.broadcast %mul3A_34 : f32 to vector<1x4096xf32>
    %mul3A_36 = arith.mulf %slice3A, %mul3A_35 : vector<1x4096xf32>
    %slice3A_37 = vector.extract_strided_slice %dot_general3A_33 {offsets = [1, 0], sizes = [1, 4096], strides = [1, 1]} : vector<2x4096xf32> to vector<1x4096xf32>
    %add3A_38 = arith.addf %mul3A_36, %slice3A_37 : vector<1x4096xf32>
    %min3A = arith.constant 5.110000e+02 : f32
    %min3A_39 = vector.broadcast %min3A : f32 to vector<1x4096xf32>
    %min3A_40 = arith.minimumf %add3A_38, %min3A_39 : vector<1x4096xf32>
    %convert_element_type3A_41 = arith.fptosi %min3A_40 : vector<1x4096xf32> to vector<1x4096xi32>
    %squeeze3A = vector.shape_cast %convert_element_type3A_41 : vector<1x4096xi32> to vector<4096xi32>
    %swap3A = arith.constant 0 : index
    %swap3A_42 = arith.constant 0 : index
    %swap3A_43 = arith.constant 0 : index
    %swap3A_44 = vector.load %arg3[%swap3A, %swap3A_42, %swap3A_43] : memref<1x1x4096xi32, #tpu.memory_space<vmem>>, vector<1x1x4096xi32>
    %swap3A_45 = vector.shape_cast %swap3A_44 : vector<1x1x4096xi32> to vector<4096xi32>
    %swap3A_46 = vector.shape_cast %squeeze3A : vector<4096xi32> to vector<1x1x4096xi32>
    tpu.vector_store %arg3[%swap3A, %swap3A_42, %swap3A_43], %swap3A_46 {strides = array<i32>} : memref<1x1x4096xi32, #tpu.memory_space<vmem>>, vector<1x1x4096xi32>,
    %reduce_sum3A_47 = vector.shape_cast %broadcast_in_dim3A_18 : vector<1x4096xf32> to vector<1x1x4096xf32>
    %reduce_sum3A_48 = arith.constant dense<0.000000e+00> : vector<1xf32>
    %reduce_sum3A_49 = vector.multi_reduction <add>, %reduce_sum3A_47, %reduce_sum3A_48 [1, 2] : vector<1x1x4096xf32> to vector<1xf32>
    %reduce_sum3A_50 = vector.shape_cast %reduce_sum3A_49 : vector<1xf32> to vector<1x1x1xf32>
    %reduce_sum3A_51 = vector.extract %reduce_sum3A_50[0, 0, 0] : f32 from vector<1x1x1xf32>
    %broadcast_in_dim3A_52 = vector.broadcast %reduce_sum3A_51 : f32 to vector<128xf32>
    %swap3A_53 = arith.constant 0 : index
    %swap3A_54 = arith.constant 0 : index
    %swap3A_55 = arith.constant 0 : index
    %swap3A_56 = vector.load %arg4[%swap3A_53, %swap3A_54, %swap3A_55] : memref<1x1x128xf32, #tpu.memory_space<vmem>>, vector<1x1x128xf32>
    %swap3A_57 = vector.shape_cast %swap3A_56 : vector<1x1x128xf32> to vector<128xf32>
    %swap3A_58 = vector.shape_cast %broadcast_in_dim3A_52 : vector<128xf32> to vector<1x1x128xf32>
    tpu.vector_store %arg4[%swap3A_53, %swap3A_54, %swap3A_55], %swap3A_58 {strides = array<i32>} : memref<1x1x128xf32, #tpu.memory_space<vmem>>, vector<1x1x128xf32>,
    return
  }
  func.func @transform_0(%arg0: i32) -> (i32, i32) {
    %add3A = arith.constant 16 : i32
    %add3A_0 = arith.addi %arg0, %add3A : i32
    %c0_i32 = arith.constant 0 : i32
    %c0_i32_1 = arith.constant 0 : i32
    return %c0_i32, %add3A_0 : i32, i32
  }
  func.func @transform_1(%arg0: i32) -> (i32, i32) {
    %c0_i32 = arith.constant 0 : i32
    %c0_i32_0 = arith.constant 0 : i32
    %c0_i32_1 = arith.constant 0 : i32
    return %c0_i32, %c0_i32_0 : i32, i32
  }
  func.func @transform_2(%arg0: i32) -> (i32, i32, i32) {
    %c0_i32 = arith.constant 0 : i32
    %c0_i32_0 = arith.constant 0 : i32
    %c0_i32_1 = arith.constant 0 : i32
    return %arg0, %c0_i32, %c0_i32_0 : i32, i32, i32
  }
  func.func @transform_3(%arg0: i32) -> (i32, i32, i32) {
    %c0_i32 = arith.constant 0 : i32
    %c0_i32_0 = arith.constant 0 : i32
    %c0_i32_1 = arith.constant 0 : i32
    return %arg0, %c0_i32, %c0_i32_0 : i32, i32, i32
  }
}

module attributes {stable_mosaic.version = 14 : i64} {
  func.func @_argmin_body(%arg0: i32, %arg1: memref<32x4096xf32, #tpu.memory_space<vmem>>, %arg2: memref<512x32xf32, #tpu.memory_space<vmem>>, %arg3: memref<1x1x4096xi32, #tpu.memory_space<vmem>>, %arg4: memref<1x1x128xf32, #tpu.memory_space<vmem>>) attributes {dimension_semantics = [#tpu.dimension_semantics<arbitrary>], iteration_bounds = array<i64: 16>, scalar_prefetch = 0 : i64, scratch_operands = 0 : i64, tpu.core_type = #tpu.core_type<tc>, window_params = [{transform_indices = @transform_0, window_bounds = array<i64: 32, 4096>}, {pipeline_mode = #tpu.pipeline_mode<synchronous>, transform_indices = @transform_1, window_bounds = array<i64: 512, 32>}, {transform_indices = @transform_2, window_bounds = array<i64: 1, 1, 4096>}, {transform_indices = @transform_3, window_bounds = array<i64: 1, 1, 128>}]} {
    %get3A = arith.constant 0 : index
    %get3A_0 = arith.constant 0 : index
    %get3A_1 = vector.load %arg1[%get3A, %get3A_0] : memref<32x4096xf32, #tpu.memory_space<vmem>>, vector<32x4096xf32>
    %get3A_2 = arith.constant 0 : index
    %get3A_3 = arith.constant 0 : index
    %get3A_4 = vector.load %arg2[%get3A_2, %get3A_3] : memref<512x32xf32, #tpu.memory_space<vmem>>, vector<512x32xf32>
    %mul3A = arith.mulf %get3A_1, %get3A_1 : vector<32x4096xf32>
    %reduce_sum3A = arith.constant dense<0.000000e+00> : vector<4096xf32>
    %reduce_sum3A_5 = vector.multi_reduction <add>, %mul3A, %reduce_sum3A [0] : vector<32x4096xf32> to vector<4096xf32>
    %broadcast_in_dim3A = vector.shape_cast %reduce_sum3A_5 : vector<4096xf32> to vector<1x4096xf32>
    %mul3A_6 = arith.mulf %get3A_4, %get3A_4 : vector<512x32xf32>
    %reduce_sum3A_7 = arith.constant dense<0.000000e+00> : vector<512xf32>
    %reduce_sum3A_8 = vector.multi_reduction <add>, %mul3A_6, %reduce_sum3A_7 [1] : vector<512x32xf32> to vector<512xf32>
    %broadcast_in_dim3A_9 = vector.shape_cast %reduce_sum3A_8 : vector<512xf32> to vector<512x1xf32>
    %mul3A_10 = arith.constant 2.500000e-01 : f32
    %mul3A_11 = vector.broadcast %mul3A_10 : f32 to vector<512x1xf32>
    %mul3A_12 = arith.mulf %mul3A_11, %broadcast_in_dim3A_9 : vector<512x1xf32>
    %dot_general3A = arith.constant dense<0.000000e+00> : vector<512x4096xf32>
    %dot_general3A_13 = tpu.matmul %get3A_4, %get3A_1, %dot_general3A {dimension_numbers = #tpu.dot_dimension_numbers<[1], [0], [0], [1], [0, 0, 1, 1], [], []>, transpose_lhs_hint = false} : vector<512x32xf32>, vector<32x4096xf32>, vector<512x4096xf32> -> vector<512x4096xf32>
    %add3A = vector.broadcast %broadcast_in_dim3A : vector<1x4096xf32> to vector<512x4096xf32>
    %add3A_14 = arith.addf %add3A, %dot_general3A_13 : vector<512x4096xf32>
    %add3A_15 = vector.broadcast %mul3A_12 : vector<512x1xf32> to vector<512x4096xf32>
    %add3A_16 = arith.addf %add3A_14, %add3A_15 : vector<512x4096xf32>
    %reduce_min3A = arith.constant dense<0x7F800000> : vector<4096xf32>
    %reduce_min3A_17 = vector.multi_reduction <minimumf>, %add3A_16, %reduce_min3A [0] : vector<512x4096xf32> to vector<4096xf32>
    %broadcast_in_dim3A_18 = vector.shape_cast %reduce_min3A_17 : vector<4096xf32> to vector<1x4096xf32>
    %eq3A = vector.broadcast %broadcast_in_dim3A_18 : vector<1x4096xf32> to vector<512x4096xf32>
    %eq3A_19 = arith.cmpf oeq, %add3A_16, %eq3A : vector<512x4096xf32>
    %jit3A = arith.constant 1.000000e+00 : f32
    %jit3A_20 = arith.constant 0.000000e+00 : f32
    %broadcast_in_dim3A_21 = vector.broadcast %jit3A : f32 to vector<512x4096xf32>
    %broadcast_in_dim3A_22 = vector.broadcast %jit3A_20 : f32 to vector<512x4096xf32>
    %select_n3A = arith.select %eq3A_19, %broadcast_in_dim3A_21, %broadcast_in_dim3A_22 : vector<512x4096xi1>, vector<512x4096xf32>
    %iota3A = tpu.iota {dimensions = array<i32: 1>} : vector<2x512xi32>
    %iota3A_23 = tpu.iota {dimensions = array<i32: 0>} : vector<2x512xi32>
    %eq3A_24 = arith.constant 0 : i32
    %eq3A_25 = vector.broadcast %eq3A_24 : i32 to vector<2x512xi32>
    %eq3A_26 = arith.cmpi eq, %iota3A_23, %eq3A_25 : vector<2x512xi32>
    %shift_right_arithmetic3A = arith.constant 8 : i32
    %shift_right_arithmetic3A_27 = vector.broadcast %shift_right_arithmetic3A : i32 to vector<2x512xi32>
    %shift_right_arithmetic3A_28 = arith.shrsi %iota3A, %shift_right_arithmetic3A_27 : vector<2x512xi32>
    %and3A = arith.constant 255 : i32
    %and3A_29 = vector.broadcast %and3A : i32 to vector<2x512xi32>
    %and3A_30 = arith.andi %iota3A, %and3A_29 : vector<2x512xi32>
    %select_n3A_31 = arith.select %eq3A_26, %shift_right_arithmetic3A_28, %and3A_30 : vector<2x512xi1>, vector<2x512xi32>
    %convert_element_type3A = arith.sitofp %select_n3A_31 : vector<2x512xi32> to vector<2x512xf32>
    %dot_general3A_32 = arith.constant dense<0.000000e+00> : vector<2x4096xf32>
    %dot_general3A_33 = tpu.matmul %convert_element_type3A, %select_n3A, %dot_general3A_32 {dimension_numbers = #tpu.dot_dimension_numbers<[1], [0], [0], [1], [0, 0, 1, 1], [], []>, transpose_lhs_hint = false} : vector<2x512xf32>, vector<512x4096xf32>, vector<2x4096xf32> -> vector<2x4096xf32>
    %slice3A = vector.extract_strided_slice %dot_general3A_33 {offsets = [0, 0], sizes = [1, 4096], strides = [1, 1]} : vector<2x4096xf32> to vector<1x4096xf32>
    %mul3A_34 = arith.constant 2.560000e+02 : f32
    %mul3A_35 = vector.broadcast %mul3A_34 : f32 to vector<1x4096xf32>
    %mul3A_36 = arith.mulf %slice3A, %mul3A_35 : vector<1x4096xf32>
    %slice3A_37 = vector.extract_strided_slice %dot_general3A_33 {offsets = [1, 0], sizes = [1, 4096], strides = [1, 1]} : vector<2x4096xf32> to vector<1x4096xf32>
    %add3A_38 = arith.addf %mul3A_36, %slice3A_37 : vector<1x4096xf32>
    %min3A = arith.constant 5.110000e+02 : f32
    %min3A_39 = vector.broadcast %min3A : f32 to vector<1x4096xf32>
    %min3A_40 = arith.minimumf %add3A_38, %min3A_39 : vector<1x4096xf32>
    %convert_element_type3A_41 = arith.fptosi %min3A_40 : vector<1x4096xf32> to vector<1x4096xi32>
    %squeeze3A = vector.shape_cast %convert_element_type3A_41 : vector<1x4096xi32> to vector<4096xi32>
    %swap3A = arith.constant 0 : index
    %swap3A_42 = arith.constant 0 : index
    %swap3A_43 = arith.constant 0 : index
    %swap3A_44 = vector.load %arg3[%swap3A, %swap3A_42, %swap3A_43] : memref<1x1x4096xi32, #tpu.memory_space<vmem>>, vector<1x1x4096xi32>
    %swap3A_45 = vector.shape_cast %swap3A_44 : vector<1x1x4096xi32> to vector<4096xi32>
    %swap3A_46 = vector.shape_cast %squeeze3A : vector<4096xi32> to vector<1x1x4096xi32>
    tpu.vector_store %arg3[%swap3A, %swap3A_42, %swap3A_43], %swap3A_46 {strides = array<i32>} : memref<1x1x4096xi32, #tpu.memory_space<vmem>>, vector<1x1x4096xi32>,
    %reduce_sum3A_47 = vector.shape_cast %broadcast_in_dim3A_18 : vector<1x4096xf32> to vector<1x1x4096xf32>
    %reduce_sum3A_48 = arith.constant dense<0.000000e+00> : vector<1xf32>
    %reduce_sum3A_49 = vector.multi_reduction <add>, %reduce_sum3A_47, %reduce_sum3A_48 [1, 2] : vector<1x1x4096xf32> to vector<1xf32>
    %reduce_sum3A_50 = vector.shape_cast %reduce_sum3A_49 : vector<1xf32> to vector<1x1x1xf32>
    %reduce_sum3A_51 = vector.extract %reduce_sum3A_50[0, 0, 0] : f32 from vector<1x1x1xf32>
    %broadcast_in_dim3A_52 = vector.broadcast %reduce_sum3A_51 : f32 to vector<128xf32>
    %swap3A_53 = arith.constant 0 : index
    %swap3A_54 = arith.constant 0 : index
    %swap3A_55 = arith.constant 0 : index
    %swap3A_56 = vector.load %arg4[%swap3A_53, %swap3A_54, %swap3A_55] : memref<1x1x128xf32, #tpu.memory_space<vmem>>, vector<1x1x128xf32>
    %swap3A_57 = vector.shape_cast %swap3A_56 : vector<1x1x128xf32> to vector<128xf32>
    %swap3A_58 = vector.shape_cast %broadcast_in_dim3A_52 : vector<128xf32> to vector<1x1x128xf32>
    tpu.vector_store %arg4[%swap3A_53, %swap3A_54, %swap3A_55], %swap3A_58 {strides = array<i32>} : memref<1x1x128xf32, #tpu.memory_space<vmem>>, vector<1x1x128xf32>,
    return
  }
  func.func @transform_0(%arg0: i32) -> (i32, i32) {
    %add3A = arith.constant 0 : i32
    %add3A_0 = arith.addi %arg0, %add3A : i32
    %c0_i32 = arith.constant 0 : i32
    %c0_i32_1 = arith.constant 0 : i32
    return %c0_i32, %add3A_0 : i32, i32
  }
  func.func @transform_1(%arg0: i32) -> (i32, i32) {
    %c0_i32 = arith.constant 0 : i32
    %c0_i32_0 = arith.constant 0 : i32
    %c0_i32_1 = arith.constant 0 : i32
    return %c0_i32, %c0_i32_0 : i32, i32
  }
  func.func @transform_2(%arg0: i32) -> (i32, i32, i32) {
    %c0_i32 = arith.constant 0 : i32
    %c0_i32_0 = arith.constant 0 : i32
    %c0_i32_1 = arith.constant 0 : i32
    return %arg0, %c0_i32, %c0_i32_0 : i32, i32, i32
  }
  func.func @transform_3(%arg0: i32) -> (i32, i32, i32) {
    %c0_i32 = arith.constant 0 : i32
    %c0_i32_0 = arith.constant 0 : i32
    %c0_i32_1 = arith.constant 0 : i32
    return %arg0, %c0_i32, %c0_i32_0 : i32, i32, i32
  }
}

</mosaic_0001>

<sc_bundles>
// kernel: kernel.6.cloned.1.call-start
scs
__scs_entry_jumppad:
0x0: {  	(pc) =	sbr.rel $0x88, $3  }
0x1: {  	(tag) =	ssettag $0x0;
	lr =	simm.s32 $0x1  }
0x2: {  	[smem:$0x3F9F] =	sst lr;
	_ =	strace $0xD0000000  }
0x3: {  	_ = 	snop  }
0x4: {  	_ = 	snop  }
0x5: {  	_ = 	snop  }
0x6: {  	_ = 	snop  }
0x7: {  	_ = 	snop  }
__scs_overlays_trampoline_lowered:
0x8: {  	[smem:$0x3FAE] =	sst s0  }
0x9: {  	[smem:$0x3FAF] =	sst s1  }
0xa: {  	[smem:$0x3FB0] =	sst s2  }
0xb: {  	[smem:$0x3FB1] =	sst s3  }
0xc: {  	[smem:$0x3FB2] =	sst s4  }
0xd: {  	[smem:$0x3FB3] =	sst s5  }
0xe: {  	[smem:$0x3FB4] =	sst s6  }
0xf: {  	[smem:$0x3FB5] =	sst s7  }
0x10: {  	[smem:$0x3FB6] =	sst s8  }
0x11: {  	[smem:$0x3FB7] =	sst s9;
	s0 =	simm.s32 @!p0 $0x0  }
0x12: {  	s1 =	sld [smem:$0x3F9D];
	s0 =	simm.s32 @p0 $0x1  }
0x13: {  	[smem:$0x3FB8] =	sst s0;
	s0 =	simm.s32 @!p1 $0x0  }
0x14: {  	s2 =	sld [smem:$0x3F9C];
	s0 =	simm.s32 @p1 $0x1  }
0x15: {  	[smem:$0x3FB9] =	sst s0;
	s0 =	simm.s32 @!p2 $0x0  }
0x16: {  	s3 =	sld [smem:$0x3FDB];
	s0 =	simm.s32 @p2 $0x1  }
0x17: {  	s4 =	simm.s32 $0x1BF5;
	[smem:$0x3FBB] =	sst s0  }
0x18: {  	s0 =	sld [smem:$0x3F9E];
	_ =	swait.ge [sflag:s4], $0x0  }
0x19: {  	s7 =	sld [smem:$0x3F9F]  }
0x1a: {  	s8 =	sadd.s32 $0xFFFFE003, lr  }
0x1b: {  	s9 =	sadd.s32 $0xFFFFFEF7, lr;
	s5 =	simm.s32 $0xFFFFFFFF;
	p2 =	slt.u32 s8, $0xFFFFF086  }
0x1c: {  	p1 =	slt.u32 s9, $0xF7A;
	s5 =	simm.s32 @!p2 $0x0  }
0x1d: {  	s5 =	simm.s32 @p1 $0x1;
	p0 =	seq.s32 s7, s2  }
0x1e: {  	s7 =	smul.u32 @!p0 $0xF7A, s2;
	p2 =	seq.s32 @!p0 s5, $0x0  }
0x1f: {  	s9 =	smul.u32 $0xF7A, s1;
	s8 =	simm.s32 @!p0 $0x1BF5;
	p2 =	por !p2, p0  }
0x20: {  	[sflag:s8] =	ssyncset.s32 @!p0 $0xFFFFF086;
	s6 =	sadd.s32 @!p0 s3, s7;
	s7 =	simm.s32 @!p0 $0x108  }
0x21: {  	s3 =	sadd.s32 s3, s9;
	s6 =	sadd.s32 @!p0 $0x88, s6;
	s7 =	simm.s32 @p2 $0x1082  }
0x22: {  	[simem:s7], [sflag:s8] =	dma.local @!p0 [hbm:s6], $0xF7A  }
0x23: {  	s9 =	sor.u32 $0xD0000000, s2;
	s6 =	simm.s32 $0x108;
	_ =	swait.ge @!p0 [sflag:s8], $0x0  }
0x24: {  	s3 =	sadd.s32 $0x88, s3;
	s6 =	simm.s32 @!p1 $0x1082;
	[sflag:s4] =	ssyncset.s32 $0xFFFFF086  }
0x25: {  	[simem:s6], [sflag:s4] =	dma.local [hbm:s3], $0xF7A  }
0x26: {  	[smem:$0x3F9F] =	sst s1;
	(tag) =	ssettag s2;
	_ =	strace s9  }
0x27: {  	s1 =	sld [smem:$0x3FAF]  }
0x28: {  	s2 =	sld [smem:$0x3FB0]  }
0x29: {  	s4 =	sld [smem:$0x3FB2]  }
0x2a: {  	p0 =	seq.s32 s5, $0x0;
	s5 =	sld [smem:$0x3FB3]  }
0x2b: {  	s6 =	sld [smem:$0x3FB4]  }
0x2c: {  	s7 =	sld [smem:$0x3FB5]  }
0x2d: {  	s3 =	simm.s32 $0x108;
	s8 =	sld [smem:$0x3FB6]  }
0x2e: {  	s3 =	simm.s32 @!p0 $0x1082;
	s9 =	sld [smem:$0x3FB7]  }
0x2f: {  	lr =	sadd.s32 s0, s3;
	s0 =	sld [smem:$0x3FAE]  }
0x30: {  	s3 =	sld [smem:$0x3FB1]  }
0x31: {  	[smem:$0x3FBA] =	sst s10  }
0x32: {  	s10 =	sld [smem:$0x3FB8];
	_ =	sdelay $0x3  }
0x33: {  	p0 =	seq.s32 s10, $0x1;
	s10 =	sld [smem:$0x3FBA];
	_ =	sdelay $0x3  }
0x34: {  	[smem:$0x3FBA] =	sst s10  }
0x35: {  	s10 =	sld [smem:$0x3FB9];
	_ =	sdelay $0x3  }
0x36: {  	p1 =	seq.s32 s10, $0x1;
	s10 =	sld [smem:$0x3FBA];
	_ =	sdelay $0x3  }
0x37: {  	[smem:$0x3FBA] =	sst s10  }
0x38: {  	s10 =	sld [smem:$0x3FBB]  }
0x39: {  	_ = 	snop;
	(pc) =	sbr.ind lr, $3  }
0x3a: {  	_ = 	snop  }
0x3b: {  	_ = 	snop  }
0x3c: {  	p2 =	seq.s32 s10, $0x1;
	s10 =	sld [smem:$0x3FBA]  }
0x3d: {  	_ =	shalt  }
0x3e: {  	_ =	shalt  }
0x3f: {  	_ =	shalt  }
0x40: {  	_ =	shalt  }
0x41: {  	_ =	shalt  }
0x42: {  	_ =	shalt  }
0x43: {  	_ =	shalt  }
0x44: {  	_ =	shalt  }
0x45: {  	_ =	shalt  }
0x46: {  	_ =	shalt  }
0x47: {  	_ =	shalt  }
0x48: {  	_ =	shalt  }
0x49: {  	_ =	shalt  }
0x4a: {  	_ =	shalt  }
0x4b: {  	_ =	shalt  }
0x4c: {  	_ =	shalt  }
0x4d: {  	_ =	shalt  }
0x4e: {  	_ =	shalt  }
0x4f: {  	_ =	shalt  }
0x50: {  	_ =	shalt  }
0x51: {  	_ =	shalt  }
0x52: {  	_ =	shalt  }
0x53: {  	_ =	shalt  }
0x54: {  	_ =	shalt  }
0x55: {  	_ =	shalt  }
0x56: {  	_ =	shalt  }
0x57: {  	_ =	shalt  }
0x58: {  	_ =	shalt  }
0x59: {  	_ =	shalt  }
0x5a: {  	_ =	shalt  }
0x5b: {  	_ =	shalt  }
0x5c: {  	_ =	shalt  }
0x5d: {  	_ =	shalt  }
0x5e: {  	_ =	shalt  }
0x5f: {  	_ =	shalt  }
0x60: {  	_ =	shalt  }
0x61: {  	_ =	shalt  }
0x62: {  	_ =	shalt  }
0x63: {  	_ =	shalt  }
0x64: {  	_ =	shalt  }
0x65: {  	_ =	shalt  }
0x66: {  	_ =	shalt  }
0x67: {  	_ =	shalt  }
0x68: {  	_ =	shalt  }
0x69: {  	_ =	shalt  }
0x6a: {  	_ =	shalt  }
0x6b: {  	_ =	shalt  }
0x6c: {  	_ =	shalt  }
0x6d: {  	_ =	shalt  }
0x6e: {  	_ =	shalt  }
0x6f: {  	_ =	shalt  }
0x70: {  	_ =	shalt  }
0x71: {  	_ =	shalt  }
0x72: {  	_ =	shalt  }
0x73: {  	_ =	shalt  }
0x74: {  	_ =	shalt  }
0x75: {  	_ =	shalt  }
0x76: {  	_ =	shalt  }
0x77: {  	_ =	shalt  }
0x78: {  	_ =	shalt  }
0x79: {  	_ =	shalt  }
0x7a: {  	_ =	shalt  }
0x7b: {  	_ =	shalt  }
0x7c: {  	_ =	shalt  }
0x7d: {  	_ =	shalt  }
0x7e: {  	_ =	shalt  }
0x7f: {  	_ =	shalt  }
0x80: {  	_ =	shalt  }
0x81: {  	_ =	shalt  }
0x82: {  	_ =	shalt  }
0x83: {  	_ =	shalt  }
0x84: {  	_ =	shalt  }
0x85: {  	_ =	shalt  }
0x86: {  	_ =	shalt  }
0x87: {  	_ =	shalt  }
.Lfunc_end0:
.L_simem_size_0:
called_computation_lowered:
.L_overlay_start_0:
0x88: {  	s2 =	sld [smem:$0x3FD9]  }
0x89: {  	s3 =	sld [smem:$0x3FFE];
	_ =	sdelay $0x1  }
0x8a: {  	s1 =	srdreg.scid  }
0x8b: {  	s0 =	sand.u32 $0x1, s1  }
0x8c: {  	s15 =	sshll.u32 s0, $0xA;
	s2 =	sadd.s32 s3, s2  }
0x8d: {  	s2 =	sadd.s32 s2, s15  }
0x8e: {  	[smem:$0x3FC6] =	sst s2  }
0x8f: {  	_ = 	snop  }
0x90: {  	s2 =	sld [smem:$0x3FD0];
	_ =	sdelay $0x2  }
0x91: {  	s16 =	simm.s32 $0xB;
	s4 =	simm.s32 $0x10  }
0x92: {  	[smem:s4], [sflag:s16] =	dma.local [hbm:s2], $0x1  }
0x93: {  	_ =	swait.eq [sflag:s16], $0x1  }
0x94: {  	[sflag:s16] =	ssyncset.done $0x0  }
0x95: {  	[sflag:s16] =	ssyncadd.s32 $0xFFFFFFFF  }
0x96: {  	s17 =	sld [smem:$0x10];
	(tm) =	ssettm $0x1  }
0x97: {  	s18 =	sld [smem:$0x3FFB];
	_ =	sdelay $0x3  }
0x98: {  	_ =	strace s18  }
0x99: {  	s2 =	sld [smem:$0x3FFC];
	_ =	sdelay $0x3  }
0x9a: {  	_ =	strace s2  }
0x9b: {  	s2 =	sld [smem:$0x3FFD];
	_ =	sdelay $0x3  }
0x9c: {  	_ =	strace s2  }
0x9d: {  	_ =	strace $0x8FFFFFFF  }
0x9e: {  	s19 =	sld [smem:$0x3FDB];
	_ =	sdelay $0x1  }
0x9f: {  	s20 =	simm.s32 $_scs_section_size  }
0xa0: {  	s5 =	simm.s32 $_size__tile_overlayer_lowered;
	s6 =	simm.s32 $_tile_overlayer_lowered  }
0xa1: {  	s7 =	simm.s32 $0x1BFF;
	s21 =	sshll.u32 s6, $0x1;
	s4 =	sadd.s32 s20, s19  }
0xa2: {  	s22 =	simm.s32 $0x0;
	s5 =	sshll.u32 s5, $0x1;
	s6 =	sadd.s32 s21, s4  }
0xa3: {  	[timem:s22], [sflag:s7] =	dma.local [hbm:s6], s5  }
0xa4: {  	_ =	swait.ge [sflag:s7], s5  }
0xa5: {  	s5 =	ssub.s32 $0x0, s5;
	[sflag:s7] =	ssyncset.done $0x0  }
0xa6: {  	[sflag:s7] =	ssyncadd.s32 s5;
	_ =	sdelay $0x1  }
0xa7: {  	s23 =	simm.s32 $0x1B8B  }
0xa8: {  	_ =	swait.ge [sflag:s23], $0x1  }
0xa9: {  	[sflag:s23] =	ssyncset.done $0x0  }
0xaa: {  	[sflag:s23] =	ssyncadd.s32 $0xFFFFFFFF  }
0xab: {  	s5 =	sld [smem:$0x0]  }
0xac: {  	s6 =	sand.u32 $0xFFFFFFFE, s1  }
0xad: {  	p0 =	sne.s32 s1, s6  }
0xae: {  	s6 =	sshll.u32 @p0 s6, $0xE  }
0xaf: {  	s6 =	sadd.s32 @p0 $0x11B8D, s6;
	s7 =	sshll.u32 @p0 s5, $0x11  }
0xb0: {  	s6 =	sor.u32 @p0 s7, s6  }
0xb1: {  	[sflag:s6] =	ssyncadd.remote.s32 @p0 $0x1;
	_ =	sdelay $0x1  }
0xb2: {  	s6 =	simm.s32 @p0 $0x1B8D  }
0xb3: {  	_ =	swait.eq @p0 [sflag:s6], $0x1  }
0xb4: {  	[sflag:s6] =	ssyncadd.s32 @p0 $0xFFFFFFFF  }
0xb5: {  	s7 =	sshll.u32 @!p0 s1, $0xE  }
0xb6: {  	s7 =	sor.u32 @!p0 $0x4000, s7;
	s6 =	simm.s32 @!p0 $0x1B8D  }
0xb7: {  	s5 =	sshll.u32 @!p0 s5, $0x11;
	s7 =	sadd.s32 @!p0 $0x11B8D, s7;
	_ =	swait.eq @!p0 [sflag:s6], $0x1  }
0xb8: {  	s5 =	sor.u32 @!p0 s5, s7;
	[sflag:s6] =	ssyncadd.s32 @!p0 $0xFFFFFFFF  }
0xb9: {  	s25 =	simm.s32 $0x1B8E;
	s24 =	sld [smem:$0x3FFE];
	[sflag:s5] =	ssyncadd.remote.s32 @!p0 $0x1  }
0xba: {  	s26 =	simm.s32 $execute0_lowered;
	[smem:$0x3FD2] =	sst s25  }
0xbb: {  	s6 =	sshll.u32 s26, $0x1;
	_ =	strace $0x80000049;
	[dreg:$0x1] =	wrdreg $0xFFFFFFFF  }
0xbc: {  	s28 =	simm.s32 $_size_execute0_lowered;
	s4 =	sadd.s32 s4, s6;
	[dreg:$0x0] =	wrdreg $0x0  }
0xbd: {  	s6 =	sshll.u32 s28, $0x1;
	[dreg:$0x2] =	wrdreg s4  }
0xbe: {  	[dreg:$0x3] =	wrdreg s6  }
0xbf: {  	[dreg:$0x4] =	wrdreg $0xC0  }
0xc0: {  	_ =	task [dreg:s22], $0x5FFFF  }
0xc1: {  	[dreg:$0x1] =	wrdreg $0xFFFFFFFF  }
0xc2: {  	[dreg:$0x0] =	wrdreg $0x60  }
0xc3: {  	[dreg:$0x2] =	wrdreg s24  }
0xc4: {  	[dreg:$0x3] =	wrdreg s17  }
0xc5: {  	[dreg:$0x4] =	wrdreg $0x0  }
0xc6: {  	[dreg:$0x5] =	wrdreg $0x9  }
0xc7: {  	_ =	task.clear_ibuf [dreg:s22], $0x6FFFF;
	_ =	strace $0x90000049  }
0xc8: {  	s29 =	simm.s32 $0x9;
	_ =	strace $0x8000004B  }
0xc9: {  	_ =	swait.ge [sflag:s29], $0x1  }
0xca: {  	[sflag:s29] =	ssyncadd.s32 $0xFFFFFFFF  }
0xcb: {  	_ =	strace $0x9000004B  }
0xcc: {  	_ =	sfence  }
0xcd: {  	s30 =	sld [smem:$0x0];
	_ =	sdelay $0x2  }
0xce: {  	s31 =	sshll.u32 s1, $0xD;
	s1 =	sshrl.u32 s1, $0x2  }
0xcf: {  	s4 =	sand.u32 $0x4000, s31;
	s1 =	sadd.s32 s1, s30  }
0xd0: {  	s0 =	sor.u32 s4, s0;
	s1 =	sshll.u32 s1, $0x11  }
0xd1: {  	s0 =	sor.u32 s1, s0  }
0xd2: {  	s0 =	sadd.s32 $0x8F2B, s0  }
0xd3: {  	[sflag:s0] =	ssyncadd.remote.s32 $0x1  }
0xd4: {  	_ =	sfence.sel $0xFFFF  }
0xd5: {  	[dreg:$0x0] =	wrdreg $0xFFFFFFFF;
	(pc) =	sbr.abs _section_cstart, $3  }
0xd6: {  	[dreg:$0x1] =	wrdreg $0xFFFFFFFF  }
0xd7: {  	_ =	task.clear_ibuf [dreg:s22], $0x2FFFF;
	_ =	strace $0x9FFFFFFF  }
0xd8: {  	(tm) =	ssettm $0x7FFFFFFF  }
0xd9: {  	_ =	shalt  }
tec
execute0_lowered:
.L_overlay_start_1:
0x0: {  	(tag) =	ssettag $0x1  }
0x1: {  	s3 =	rddreg [dreg:$0x0]  }
0x2: {  	s4 =	rddreg [dreg:$0x1]  }
0x3: {  	s1 =	rddreg [dreg:$0x2];
	s2 =	simm.s32 $0x0  }
0x4: {  	s6 =	stileid.u32;
	[smem:$0x7FF] =	sst s2;
	s8 =	sadd.s32 $0xE00, s3  }
0x5: {  	s26 =	simm.s32 $0x480;
	_ =	strace $0x8000004A;
	[dreg:$0x4] =	wrdreg s8  }
0x6: {  	s0 =	simm.s32 $0x1C00;
	s21 =	sshll.u32 s6, $0xC;
	[dreg:$0xa] =	wrdreg s26  }
0x7: {  	p0 =	sne.s32 s6, $0x0;
	s6 =	simm.s32 $0x580;
	[dreg:$0xb] =	wrdreg s0  }
0x8: {  	s9 =	simm.s32 $0x4C00;
	[dreg:$0xe] =	wrdreg s6  }
0x9: {  	s10 =	simm.s32 $0x680;
	[dreg:$0x11] =	wrdreg s9  }
0xa: {  	s11 =	simm.s32 $0x5C00;
	[dreg:$0x12] =	wrdreg s10  }
0xb: {  	s5 =	srdreg.scid;
	s12 =	simm.s32 $0x700;
	[dreg:$0x13] =	wrdreg s11  }
0xc: {  	s13 =	simm.s32 $0x6C00;
	s29 =	sand.u32 $0x1, s5;
	[dreg:$0x14] =	wrdreg s12  }
0xd: {  	s7 =	sshll.u32 s29, $0xB;
	s8 =	simm.s32 $0x600;
	[dreg:$0x15] =	wrdreg s13  }
0xe: {  	s5 =	sor.u32 s7, s21;
	[dreg:$0x10] =	wrdreg s8  }
0xf: {  	s3 =	sadd.s32 $0x43600, s3;
	s6 =	rddreg [dreg:$0x4];
	s7 =	sshrl.u32 s5, $0x3  }
0x10: {  	s22 =	sshll.u32 s5, $0x2;
	s5 =	sor.u32 $0x400, s5;
	s7 =	sadd.s32 s3, s7  }
0x11: {  	s23 =	sadd.s32 s4, s22;
	s24 =	sshrl.u32 s5, $0x3;
	[dreg:$0x5] =	wrdreg s7  }
0x12: {  	s5 =	sshll.u32 s5, $0x2;
	[dreg:$0x6] =	wrdreg s23;
	s3 =	sadd.s32 s3, s24  }
0x13: {  	s25 =	sadd.s32 s4, s5;
	[dreg:$0x7] =	wrdreg s3  }
0x14: {  	s4 =	simm.s32 $0x500;
	[dreg:$0x8] =	wrdreg s25  }
0x15: {  	s5 =	simm.s32 $0x2C00;
	[dreg:$0xc] =	wrdreg s4  }
0x16: {  	s7 =	simm.s32 $0x3C00;
	[dreg:$0xd] =	wrdreg s5  }
0x17: {  	s3 =	sshrl.u32 @!p0 s1, $0x3;
	[dreg:$0xf] =	wrdreg s7  }
0x18: {  	[dreg:$0x9] =	wrdreg s3  }
0x19: {  	s0 =	simm.s32 @!p0 $0x1C04;
	s4 =	simm.s32 @!p0 $0x4;
	s5 =	rddreg [dreg:$0x9]  }
0x1a: {  	[spmem:s5], [sflag:s0] =	dma.local @!p0 [hbm:s6], $0x800  }
0x1b: {  	_ =	swait.ge @!p0 [sflag:s4], $0x800  }
0x1c: {  	[sflag:s4] =	ssyncset.done @!p0 $0x0  }
0x1d: {  	[sflag:s4] =	ssyncadd.s32 @!p0 $0xFFFFF800  }
0x1e: {  	[bflag:$0x0] =	sbarrier.arrive $0xFFFF  }
0x1f: {  	s5 =	simm.s32 $0x400;
	s6 =	simm.s32 $0x4;
	s14 =	rddreg [dreg:$0x5]  }
0x20: {  	[tilespmem:s5], [sflag:$0x4] =	stream.linear.gather [hbm4b:s14+s2], $0x400, $0x38;
	[tilespmem:$0x10C00] =	vst v63  }
0x21: {  	_ =	swait.ge [sflag:s6], $0x400  }
0x22: {  	s9 =	rddreg [dreg:$0x15]  }
0x23: {  	s10 =	rddreg [dreg:$0x13]  }
0x24: {  	s11 =	rddreg [dreg:$0x11]  }
0x25: {  	s12 =	rddreg [dreg:$0xe]  }
0x26: {  	s8 =	simm.s32 $0xC00;
	s13 =	rddreg [dreg:$0xc];
	[sflag:s6] =	ssyncset.done $0x0  }
0x27: {  	s7 =	simm.s32 $0x80;
	s14 =	rddreg [dreg:$0xa];
	[sflag:s6] =	ssyncadd.s32 $0xFFFFFC00  }
0x28: {  	[tilespmem:s8], [sflag:$0x1] =	stream.indirect.gather [spmem:s1], $0x20, s5, s7, $0xb8;
	[tilespmem:$0x10C00] =	vst v63  }
0x29: {  	s15 =	rddreg [dreg:$0xb]  }
0x2a: {  	[tilespmem:s15], [sflag:$0x1] =	stream.indirect.gather [spmem:s1], $0x20, s14, s7, $0xb8;
	[tilespmem:$0x10C00] =	vst v63  }
0x2b: {  	s16 =	rddreg [dreg:$0xd]  }
0x2c: {  	[tilespmem:s16], [sflag:$0x1] =	stream.indirect.gather [spmem:s1], $0x20, s13, s7, $0xb8;
	[tilespmem:$0x10C00] =	vst v63  }
0x2d: {  	s15 =	rddreg [dreg:$0xf]  }
0x2e: {  	[tilespmem:s15], [sflag:$0x1] =	stream.indirect.gather [spmem:s1], $0x20, s12, s7, $0xb8;
	[tilespmem:$0x10C00] =	vst v63  }
0x2f: {  	s16 =	rddreg [dreg:$0x10]  }
0x30: {  	[tilespmem:s11], [sflag:$0x1] =	stream.indirect.gather [spmem:s1], $0x20, s16, s7, $0xb8;
	[tilespmem:$0x10C00] =	vst v63  }
0x31: {  	s17 =	rddreg [dreg:$0x12]  }
0x32: {  	[tilespmem:s10], [sflag:$0x1] =	stream.indirect.gather [spmem:s1], $0x20, s17, s7, $0xb8;
	[tilespmem:$0x10C00] =	vst v63  }
0x33: {  	s18 =	rddreg [dreg:$0x14]  }
0x34: {  	[tilespmem:s9], [sflag:$0x1] =	stream.indirect.gather [spmem:s1], $0x20, s18, s7, $0xb8;
	[tilespmem:$0x10C00] =	vst v63  }
0x35: {  	s19 =	simm.s32 $0x780;
	s20 =	simm.s32 $0x7C00;
	s11 =	simm.s32 $0x1  }
0x36: {  	[tilespmem:s20], [sflag:$0x1] =	stream.indirect.gather [spmem:s1], $0x20, s19, s7, $0xb8;
	[tilespmem:$0x10C00] =	vst v63  }
0x37: {  	_ =	swait.ge [sflag:s11], $0x1000  }
0x38: {  	[sflag:s11] =	ssyncset.done $0x0  }
0x39: {  	[sflag:s11] =	ssyncadd.s32 $0xFFFFF000  }
0x3a: {  	_ =	swait.ge [sflag:s11], $0x1000  }
0x3b: {  	[sflag:s11] =	ssyncset.done $0x0  }
0x3c: {  	[sflag:s11] =	ssyncadd.s32 $0xFFFFF000  }
0x3d: {  	_ =	swait.ge [sflag:s11], $0x1000  }
0x3e: {  	[sflag:s11] =	ssyncset.done $0x0  }
0x3f: {  	[sflag:s11] =	ssyncadd.s32 $0xFFFFF000  }
0x40: {  	_ =	swait.ge [sflag:s11], $0x1000  }
0x41: {  	[sflag:s11] =	ssyncset.done $0x0  }
0x42: {  	[sflag:s11] =	ssyncadd.s32 $0xFFFFF000  }
0x43: {  	_ =	swait.ge [sflag:s11], $0x1000  }
0x44: {  	[sflag:s11] =	ssyncset.done $0x0  }
0x45: {  	[sflag:s11] =	ssyncadd.s32 $0xFFFFF000  }
0x46: {  	_ =	swait.ge [sflag:s11], $0x1000  }
0x47: {  	[sflag:s11] =	ssyncset.done $0x0  }
0x48: {  	[sflag:s11] =	ssyncadd.s32 $0xFFFFF000  }
0x49: {  	_ =	swait.ge [sflag:s11], $0x1000  }
0x4a: {  	[sflag:s11] =	ssyncset.done $0x0  }
0x4b: {  	[sflag:s11] =	ssyncadd.s32 $0xFFFFF000  }
0x4c: {  	_ =	swait.ge [sflag:s11], $0x1000  }
0x4d: {  	[sflag:s11] =	ssyncset.done $0x0  }
0x4e: {  	s21 =	rddreg [dreg:$0x6];
	[sflag:s11] =	ssyncadd.s32 $0xFFFFF000  }
0x4f: {  	[hbm4b:s21+s2] =	stream.linear.scatter [tilespmem:s8], [sflag:$0x2], $0x8000, $0x38;
	[tilespmem:$0x10C00] =	vst v63  }
0x50: {  	s12 =	simm.s32 $0x800;
	s22 =	rddreg [dreg:$0x7]  }
0x51: {  	[tilespmem:s12], [sflag:$0x4] =	stream.linear.gather [hbm4b:s22+s2], $0x400, $0x38;
	[tilespmem:$0x10C00] =	vst v63  }
0x52: {  	_ =	swait.ge [sflag:s6], $0x400  }
0x53: {  	[sflag:s6] =	ssyncset.done $0x0  }
0x54: {  	s13 =	simm.s32 $0x8C00;
	[sflag:s6] =	ssyncadd.s32 $0xFFFFFC00  }
0x55: {  	[tilespmem:s13], [sflag:$0x1] =	stream.indirect.gather [spmem:s1], $0x20, s12, s7, $0xb8;
	[tilespmem:$0x10C00] =	vst v63  }
0x56: {  	s23 =	simm.s32 $0x880;
	s24 =	simm.s32 $0x9C00  }
0x57: {  	[tilespmem:s24], [sflag:$0x1] =	stream.indirect.gather [spmem:s1], $0x20, s23, s7, $0xb8;
	[tilespmem:$0x10C00] =	vst v63  }
0x58: {  	s26 =	simm.s32 $0xAC00;
	s25 =	simm.s32 $0x900  }
0x59: {  	[tilespmem:s26], [sflag:$0x1] =	stream.indirect.gather [spmem:s1], $0x20, s25, s7, $0xb8;
	[tilespmem:$0x10C00] =	vst v63  }
0x5a: {  	s18 =	simm.s32 $0x980;
	s19 =	simm.s32 $0xBC00  }
0x5b: {  	[tilespmem:s19], [sflag:$0x1] =	stream.indirect.gather [spmem:s1], $0x20, s18, s7, $0xb8;
	[tilespmem:$0x10C00] =	vst v63  }
0x5c: {  	s20 =	simm.s32 $0xA00;
	s21 =	simm.s32 $0xCC00  }
0x5d: {  	[tilespmem:s21], [sflag:$0x1] =	stream.indirect.gather [spmem:s1], $0x20, s20, s7, $0xb8;
	[tilespmem:$0x10C00] =	vst v63  }
0x5e: {  	s22 =	simm.s32 $0xA80;
	s23 =	simm.s32 $0xDC00  }
0x5f: {  	[tilespmem:s23], [sflag:$0x1] =	stream.indirect.gather [spmem:s1], $0x20, s22, s7, $0xb8;
	[tilespmem:$0x10C00] =	vst v63  }
0x60: {  	s24 =	simm.s32 $0xB00;
	s25 =	simm.s32 $0xEC00  }
0x61: {  	[tilespmem:s25], [sflag:$0x1] =	stream.indirect.gather [spmem:s1], $0x20, s24, s7, $0xb8;
	[tilespmem:$0x10C00] =	vst v63  }
0x62: {  	s28 =	simm.s32 $0xFC00;
	s26 =	simm.s32 $0xB80  }
0x63: {  	[tilespmem:s28], [sflag:$0x1] =	stream.indirect.gather [spmem:s1], $0x20, s26, s7, $0xb8;
	[tilespmem:$0x10C00] =	vst v63  }
0x64: {  	_ =	swait.ge [sflag:s11], $0x1000  }
0x65: {  	[sflag:s11] =	ssyncset.done $0x0  }
0x66: {  	[sflag:s11] =	ssyncadd.s32 $0xFFFFF000  }
0x67: {  	_ =	swait.ge [sflag:s11], $0x1000  }
0x68: {  	[sflag:s11] =	ssyncset.done $0x0  }
0x69: {  	[sflag:s11] =	ssyncadd.s32 $0xFFFFF000  }
0x6a: {  	_ =	swait.ge [sflag:s11], $0x1000  }
0x6b: {  	[sflag:s11] =	ssyncset.done $0x0  }
0x6c: {  	[sflag:s11] =	ssyncadd.s32 $0xFFFFF000  }
0x6d: {  	_ =	swait.ge [sflag:s11], $0x1000  }
0x6e: {  	[sflag:s11] =	ssyncset.done $0x0  }
0x6f: {  	[sflag:s11] =	ssyncadd.s32 $0xFFFFF000  }
0x70: {  	_ =	swait.ge [sflag:s11], $0x1000  }
0x71: {  	[sflag:s11] =	ssyncset.done $0x0  }
0x72: {  	[sflag:s11] =	ssyncadd.s32 $0xFFFFF000  }
0x73: {  	s29 =	ssub.s32 $0x2, s29;
	_ =	swait.ge [sflag:s11], $0x1000  }
0x74: {  	s31 =	sshrl.u32 s29, $0x1;
	[sflag:s11] =	ssyncset.done $0x0  }
0x75: {  	s29 =	ssub.s32 s29, s31;
	[sflag:s11] =	ssyncadd.s32 $0xFFFFF000  }
0x76: {  	s29 =	smax.u32 s29, $0x1;
	_ =	swait.ge [sflag:s11], $0x1000  }
0x77: {  	s31 =	sadd.s32 $0xFFFFFFFF, s29;
	[sflag:s11] =	ssyncset.done $0x0  }
0x78: {  	p1 =	sne.s32 s31, $0x0;
	[sflag:s11] =	ssyncadd.s32 $0xFFFFF000  }
.Ltmp0:
0x79: {  	_ =	swait.ge [sflag:s11], $0x1000;
	(pc) =	sbr.rel @!p1 .LBB2_2-.Ltmp0, $4  }
0x7a: {  	[sflag:s11] =	ssyncset.done $0x0  }
0x7b: {  	s30 =	rddreg [dreg:$0x8];
	[sflag:s11] =	ssyncadd.s32 $0xFFFFF000  }
0x7c: {  	[hbm4b:s30+s2] =	stream.linear.scatter [tilespmem:s13], [sflag:$0x3], $0x8000, $0x38;
	[tilespmem:$0x10C00] =	vst v63  }
0x7d: {  	s29 =	simm.s32 $0x3;
	s30 =	simm.s32 $0x2  }
.LBB2_1:
0x7e: {  	_ =	swait.ge [sflag:s30], $0x8000  }
0x7f: {  	[sflag:s30] =	ssyncset.done $0x0  }
0x80: {  	[sflag:s30] =	ssyncadd.s32 $0xFFFF8000  }
0x81: {  	_ =	swait.ge [sflag:s29], $0x8000  }
0x82: {  	s0 =	rddreg [dreg:$0x9];
	[sflag:s29] =	ssyncset.done $0x0  }
0x83: {  	s9 =	simm.s32 @!p0 $0x1C04;
	s3 =	rddreg [dreg:$0x4];
	[sflag:s29] =	ssyncadd.s32 $0xFFFF8000  }
0x84: {  	[spmem:s0], [sflag:s9] =	dma.local @!p0 [hbm:s3], $0x800  }
0x85: {  	_ =	swait.ge @!p0 [sflag:s4], $0x800  }
0x86: {  	[sflag:s4] =	ssyncset.done @!p0 $0x0  }
0x87: {  	[sflag:s4] =	ssyncadd.s32 @!p0 $0xFFFFF800  }
0x88: {  	[bflag:$0x0] =	sbarrier.arrive $0xFFFF  }
0x89: {  	s15 =	rddreg [dreg:$0x5]  }
0x8a: {  	[tilespmem:s5], [sflag:$0x4] =	stream.linear.gather [hbm4b:s15+s2], $0x400, $0x38;
	[tilespmem:$0x10C00] =	vst v63  }
0x8b: {  	_ =	swait.ge [sflag:s6], $0x400  }
0x8c: {  	s0 =	rddreg [dreg:$0x15]  }
0x8d: {  	s3 =	rddreg [dreg:$0x13]  }
0x8e: {  	s9 =	rddreg [dreg:$0x11]  }
0x8f: {  	s10 =	rddreg [dreg:$0xe]  }
0x90: {  	[sflag:s6] =	ssyncset.done $0x0;
	s14 =	rddreg [dreg:$0xc]  }
0x91: {  	s15 =	rddreg [dreg:$0xa];
	[sflag:s6] =	ssyncadd.s32 $0xFFFFFC00  }
0x92: {  	[tilespmem:s8], [sflag:$0x1] =	stream.indirect.gather [spmem:s1], $0x20, s5, s7, $0xb8;
	[tilespmem:$0x10C00] =	vst v63  }
0x93: {  	s16 =	rddreg [dreg:$0xb]  }
0x94: {  	[tilespmem:s16], [sflag:$0x1] =	stream.indirect.gather [spmem:s1], $0x20, s15, s7, $0xb8;
	[tilespmem:$0x10C00] =	vst v63  }
0x95: {  	s17 =	rddreg [dreg:$0xd]  }
0x96: {  	[tilespmem:s17], [sflag:$0x1] =	stream.indirect.gather [spmem:s1], $0x20, s14, s7, $0xb8;
	[tilespmem:$0x10C00] =	vst v63  }
0x97: {  	s15 =	rddreg [dreg:$0xf]  }
0x98: {  	[tilespmem:s15], [sflag:$0x1] =	stream.indirect.gather [spmem:s1], $0x20, s10, s7, $0xb8;
	[tilespmem:$0x10C00] =	vst v63  }
0x99: {  	s16 =	rddreg [dreg:$0x10]  }
0x9a: {  	[tilespmem:s9], [sflag:$0x1] =	stream.indirect.gather [spmem:s1], $0x20, s16, s7, $0xb8;
	[tilespmem:$0x10C00] =	vst v63  }
0x9b: {  	s17 =	rddreg [dreg:$0x12]  }
0x9c: {  	[tilespmem:s3], [sflag:$0x1] =	stream.indirect.gather [spmem:s1], $0x20, s17, s7, $0xb8;
	[tilespmem:$0x10C00] =	vst v63  }
0x9d: {  	s15 =	rddreg [dreg:$0x14]  }
0x9e: {  	[tilespmem:s0], [sflag:$0x1] =	stream.indirect.gather [spmem:s1], $0x20, s15, s7, $0xb8;
	[tilespmem:$0x10C00] =	vst v63  }
0x9f: {  	s16 =	simm.s32 $0x780;
	s17 =	simm.s32 $0x7C00  }
0xa0: {  	[tilespmem:s17], [sflag:$0x1] =	stream.indirect.gather [spmem:s1], $0x20, s16, s7, $0xb8;
	[tilespmem:$0x10C00] =	vst v63  }
0xa1: {  	_ =	swait.ge [sflag:s11], $0x1000  }
0xa2: {  	[sflag:s11] =	ssyncset.done $0x0  }
0xa3: {  	[sflag:s11] =	ssyncadd.s32 $0xFFFFF000  }
0xa4: {  	_ =	swait.ge [sflag:s11], $0x1000  }
0xa5: {  	[sflag:s11] =	ssyncset.done $0x0  }
0xa6: {  	[sflag:s11] =	ssyncadd.s32 $0xFFFFF000  }
0xa7: {  	_ =	swait.ge [sflag:s11], $0x1000  }
0xa8: {  	[sflag:s11] =	ssyncset.done $0x0  }
0xa9: {  	[sflag:s11] =	ssyncadd.s32 $0xFFFFF000  }
0xaa: {  	_ =	swait.ge [sflag:s11], $0x1000  }
0xab: {  	[sflag:s11] =	ssyncset.done $0x0  }
0xac: {  	[sflag:s11] =	ssyncadd.s32 $0xFFFFF000  }
0xad: {  	_ =	swait.ge [sflag:s11], $0x1000  }
0xae: {  	[sflag:s11] =	ssyncset.done $0x0  }
0xaf: {  	[sflag:s11] =	ssyncadd.s32 $0xFFFFF000  }
0xb0: {  	_ =	swait.ge [sflag:s11], $0x1000  }
0xb1: {  	[sflag:s11] =	ssyncset.done $0x0  }
0xb2: {  	[sflag:s11] =	ssyncadd.s32 $0xFFFFF000  }
0xb3: {  	_ =	swait.ge [sflag:s11], $0x1000  }
0xb4: {  	[sflag:s11] =	ssyncset.done $0x0  }
0xb5: {  	[sflag:s11] =	ssyncadd.s32 $0xFFFFF000  }
0xb6: {  	_ =	swait.ge [sflag:s11], $0x1000  }
0xb7: {  	[sflag:s11] =	ssyncset.done $0x0  }
0xb8: {  	s3 =	rddreg [dreg:$0x6];
	[sflag:s11] =	ssyncadd.s32 $0xFFFFF000  }
0xb9: {  	[hbm4b:s3+s2] =	stream.linear.scatter [tilespmem:s8], [sflag:$0x2], $0x8000, $0x38;
	[tilespmem:$0x10C00] =	vst v63  }
0xba: {  	s9 =	rddreg [dreg:$0x7]  }
0xbb: {  	[tilespmem:s12], [sflag:$0x4] =	stream.linear.gather [hbm4b:s9+s2], $0x400, $0x38;
	[tilespmem:$0x10C00] =	vst v63  }
0xbc: {  	_ =	swait.ge [sflag:s6], $0x400  }
0xbd: {  	[sflag:s6] =	ssyncset.done $0x0  }
0xbe: {  	[sflag:s6] =	ssyncadd.s32 $0xFFFFFC00  }
0xbf: {  	[tilespmem:s13], [sflag:$0x1] =	stream.indirect.gather [spmem:s1], $0x20, s12, s7, $0xb8;
	[tilespmem:$0x10C00] =	vst v63  }
0xc0: {  	s14 =	simm.s32 $0x9C00;
	s10 =	simm.s32 $0x880  }
0xc1: {  	[tilespmem:s14], [sflag:$0x1] =	stream.indirect.gather [spmem:s1], $0x20, s10, s7, $0xb8;
	[tilespmem:$0x10C00] =	vst v63  }
0xc2: {  	s15 =	simm.s32 $0x900;
	s16 =	simm.s32 $0xAC00  }
0xc3: {  	[tilespmem:s16], [sflag:$0x1] =	stream.indirect.gather [spmem:s1], $0x20, s15, s7, $0xb8;
	[tilespmem:$0x10C00] =	vst v63  }
0xc4: {  	_ = 	snop  }
0xc5: {  	[tilespmem:s19], [sflag:$0x1] =	stream.indirect.gather [spmem:s1], $0x20, s18, s7, $0xb8;
	[tilespmem:$0x10C00] =	vst v63  }
0xc6: {  	_ = 	snop  }
0xc7: {  	[tilespmem:s21], [sflag:$0x1] =	stream.indirect.gather [spmem:s1], $0x20, s20, s7, $0xb8;
	[tilespmem:$0x10C00] =	vst v63  }
0xc8: {  	_ = 	snop  }
0xc9: {  	[tilespmem:s23], [sflag:$0x1] =	stream.indirect.gather [spmem:s1], $0x20, s22, s7, $0xb8;
	[tilespmem:$0x10C00] =	vst v63  }
0xca: {  	_ = 	snop  }
0xcb: {  	[tilespmem:s25], [sflag:$0x1] =	stream.indirect.gather [spmem:s1], $0x20, s24, s7, $0xb8;
	[tilespmem:$0x10C00] =	vst v63  }
0xcc: {  	_ = 	snop  }
0xcd: {  	[tilespmem:s28], [sflag:$0x1] =	stream.indirect.gather [spmem:s1], $0x20, s26, s7, $0xb8;
	[tilespmem:$0x10C00] =	vst v63  }
0xce: {  	_ =	swait.ge [sflag:s11], $0x1000  }
0xcf: {  	[sflag:s11] =	ssyncset.done $0x0  }
0xd0: {  	[sflag:s11] =	ssyncadd.s32 $0xFFFFF000  }
0xd1: {  	_ =	swait.ge [sflag:s11], $0x1000  }
0xd2: {  	[sflag:s11] =	ssyncset.done $0x0  }
0xd3: {  	[sflag:s11] =	ssyncadd.s32 $0xFFFFF000  }
0xd4: {  	_ =	swait.ge [sflag:s11], $0x1000  }
0xd5: {  	[sflag:s11] =	ssyncset.done $0x0  }
0xd6: {  	[sflag:s11] =	ssyncadd.s32 $0xFFFFF000  }
0xd7: {  	_ =	swait.ge [sflag:s11], $0x1000  }
0xd8: {  	[sflag:s11] =	ssyncset.done $0x0  }
0xd9: {  	[sflag:s11] =	ssyncadd.s32 $0xFFFFF000  }
0xda: {  	_ =	swait.ge [sflag:s11], $0x1000  }
0xdb: {  	[sflag:s11] =	ssyncset.done $0x0  }
0xdc: {  	[sflag:s11] =	ssyncadd.s32 $0xFFFFF000  }
0xdd: {  	_ =	swait.ge [sflag:s11], $0x1000  }
0xde: {  	[sflag:s11] =	ssyncset.done $0x0  }
0xdf: {  	[sflag:s11] =	ssyncadd.s32 $0xFFFFF000  }
0xe0: {  	s31 =	sadd.s32 $0xFFFFFFFF, s31;
	_ =	swait.ge [sflag:s11], $0x1000  }
0xe1: {  	p1 =	sne.s32 s31, $0x0;
	[sflag:s11] =	ssyncset.done $0x0  }
.Ltmp1:
0xe2: {  	[sflag:s11] =	ssyncadd.s32 $0xFFFFF000;
	(pc) =	sbr.rel @p1 .LBB2_1-.Ltmp1, $4  }
0xe3: {  	_ =	swait.ge [sflag:s11], $0x1000  }
0xe4: {  	[sflag:s11] =	ssyncset.done $0x0  }
0xe5: {  	s17 =	rddreg [dreg:$0x8];
	[sflag:s11] =	ssyncadd.s32 $0xFFFFF000  }
0xe6: {  	[hbm4b:s17+s2] =	stream.linear.scatter [tilespmem:s13], [sflag:$0x3], $0x8000, $0x38;
	[tilespmem:$0x10C00] =	vst v63  }
.LBB2_2:
0xe7: {  	_ =	swait.ge [sflag:s30], $0x8000  }
0xe8: {  	[sflag:s30] =	ssyncset.done $0x0  }
0xe9: {  	[sflag:s30] =	ssyncadd.s32 $0xFFFF8000  }
0xea: {  	_ =	swait.ge [sflag:s29], $0x8000  }
0xeb: {  	[sflag:s29] =	ssyncset.done $0x0  }
0xec: {  	[sflag:s29] =	ssyncadd.s32 $0xFFFF8000  }
0xed: {  	_ =	sfence.sel $0x180000  }
0xee: {  	[bflag:$0x0] =	sbarrier.arrive $0xFFFF  }
0xef: {  	_ =	strace $0x9000004A  }
0xf0: {  	[bflag:$0x2] =	sbarrier.arrive $0xFFFF  }
0xf1: {  	s0 =	rddreg [dreg:$0x3]  }
0xf2: {  	s0 =	sadd.s32 @!p0 $0x100000, s0  }
0xf3: {  	[sflag:s0] =	ssyncadd.tile.s32 @!p0 $0x1;
	_ =	shalt  }
.Lfunc_end2:
_tile_overlayer_lowered:
.L_overlay_start_2:
0xf4: {  	(tag) =	ssettag $0x2  }
0xf5: {  	s0 =	rddreg [dreg:$0x0];
	s2 =	stileid.u32  }
0xf6: {  	s1 =	rddreg [dreg:$0x1];
	p0 =	sne.s32 s2, $0x0  }
0xf7: {  	s3 =	rddreg [dreg:$0x2];
	[bflag:$0x3] =	sbarrier.arrive $0xFFFF;
	s2 =	simm.s32 @!p0 $0x1C04  }
0xf8: {  	[timem:s3], [sflag:s2] =	dma.local @!p0 [hbm:s0], s1  }
0xf9: {  	s0 =	simm.s32 @!p0 $0x4  }
0xfa: {  	_ =	swait.ge @!p0 [sflag:s0], s1  }
0xfb: {  	s1 =	ssub.s32 @!p0 $0x0, s1;
	[sflag:s0] =	ssyncset.done @!p0 $0x0  }
0xfc: {  	[sflag:s0] =	ssyncadd.s32 @!p0 s1  }
0xfd: {  	[bflag:$0x3] =	sbarrier.arrive $0xFFFF  }
0xfe: {  	_ =	shalt  }

// kernel: kernel.9.cloned.1.call-start
scs
__scs_entry_jumppad:
0x0: {  	(pc) =	sbr.rel $0x88, $3  }
0x1: {  	(tag) =	ssettag $0x0;
	lr =	simm.s32 $0x1  }
0x2: {  	[smem:$0x3F9F] =	sst lr;
	_ =	strace $0xD0000000  }
0x3: {  	_ = 	snop  }
0x4: {  	_ = 	snop  }
0x5: {  	_ = 	snop  }
0x6: {  	_ = 	snop  }
0x7: {  	_ = 	snop  }
__scs_overlays_trampoline_lowered:
0x8: {  	[smem:$0x3FAE] =	sst s0  }
0x9: {  	[smem:$0x3FAF] =	sst s1  }
0xa: {  	[smem:$0x3FB0] =	sst s2  }
0xb: {  	[smem:$0x3FB1] =	sst s3  }
0xc: {  	[smem:$0x3FB2] =	sst s4  }
0xd: {  	[smem:$0x3FB3] =	sst s5  }
0xe: {  	[smem:$0x3FB4] =	sst s6  }
0xf: {  	[smem:$0x3FB5] =	sst s7  }
0x10: {  	[smem:$0x3FB6] =	sst s8  }
0x11: {  	[smem:$0x3FB7] =	sst s9;
	s0 =	simm.s32 @!p0 $0x0  }
0x12: {  	s1 =	sld [smem:$0x3F9D];
	s0 =	simm.s32 @p0 $0x1  }
0x13: {  	[smem:$0x3FB8] =	sst s0;
	s0 =	simm.s32 @!p1 $0x0  }
0x14: {  	s2 =	sld [smem:$0x3F9C];
	s0 =	simm.s32 @p1 $0x1  }
0x15: {  	[smem:$0x3FB9] =	sst s0;
	s0 =	simm.s32 @!p2 $0x0  }
0x16: {  	s3 =	sld [smem:$0x3FDB];
	s0 =	simm.s32 @p2 $0x1  }
0x17: {  	s4 =	simm.s32 $0x1BF5;
	[smem:$0x3FBB] =	sst s0  }
0x18: {  	s0 =	sld [smem:$0x3F9E];
	_ =	swait.ge [sflag:s4], $0x0  }
0x19: {  	s7 =	sld [smem:$0x3F9F]  }
0x1a: {  	s8 =	sadd.s32 $0xFFFFE003, lr  }
0x1b: {  	s9 =	sadd.s32 $0xFFFFFEF7, lr;
	s5 =	simm.s32 $0xFFFFFFFF;
	p2 =	slt.u32 s8, $0xFFFFF086  }
0x1c: {  	p1 =	slt.u32 s9, $0xF7A;
	s5 =	simm.s32 @!p2 $0x0  }
0x1d: {  	s5 =	simm.s32 @p1 $0x1;
	p0 =	seq.s32 s7, s2  }
0x1e: {  	s7 =	smul.u32 @!p0 $0xF7A, s2;
	p2 =	seq.s32 @!p0 s5, $0x0  }
0x1f: {  	s9 =	smul.u32 $0xF7A, s1;
	s8 =	simm.s32 @!p0 $0x1BF5;
	p2 =	por !p2, p0  }
0x20: {  	[sflag:s8] =	ssyncset.s32 @!p0 $0xFFFFF086;
	s6 =	sadd.s32 @!p0 s3, s7;
	s7 =	simm.s32 @!p0 $0x108  }
0x21: {  	s3 =	sadd.s32 s3, s9;
	s6 =	sadd.s32 @!p0 $0x88, s6;
	s7 =	simm.s32 @p2 $0x1082  }
0x22: {  	[simem:s7], [sflag:s8] =	dma.local @!p0 [hbm:s6], $0xF7A  }
0x23: {  	s9 =	sor.u32 $0xD0000000, s2;
	s6 =	simm.s32 $0x108;
	_ =	swait.ge @!p0 [sflag:s8], $0x0  }
0x24: {  	s3 =	sadd.s32 $0x88, s3;
	s6 =	simm.s32 @!p1 $0x1082;
	[sflag:s4] =	ssyncset.s32 $0xFFFFF086  }
0x25: {  	[simem:s6], [sflag:s4] =	dma.local [hbm:s3], $0xF7A  }
0x26: {  	[smem:$0x3F9F] =	sst s1;
	(tag) =	ssettag s2;
	_ =	strace s9  }
0x27: {  	s1 =	sld [smem:$0x3FAF]  }
0x28: {  	s2 =	sld [smem:$0x3FB0]  }
0x29: {  	s4 =	sld [smem:$0x3FB2]  }
0x2a: {  	p0 =	seq.s32 s5, $0x0;
	s5 =	sld [smem:$0x3FB3]  }
0x2b: {  	s6 =	sld [smem:$0x3FB4]  }
0x2c: {  	s7 =	sld [smem:$0x3FB5]  }
0x2d: {  	s3 =	simm.s32 $0x108;
	s8 =	sld [smem:$0x3FB6]  }
0x2e: {  	s3 =	simm.s32 @!p0 $0x1082;
	s9 =	sld [smem:$0x3FB7]  }
0x2f: {  	lr =	sadd.s32 s0, s3;
	s0 =	sld [smem:$0x3FAE]  }
0x30: {  	s3 =	sld [smem:$0x3FB1]  }
0x31: {  	[smem:$0x3FBA] =	sst s10  }
0x32: {  	s10 =	sld [smem:$0x3FB8];
	_ =	sdelay $0x3  }
0x33: {  	p0 =	seq.s32 s10, $0x1;
	s10 =	sld [smem:$0x3FBA];
	_ =	sdelay $0x3  }
0x34: {  	[smem:$0x3FBA] =	sst s10  }
0x35: {  	s10 =	sld [smem:$0x3FB9];
	_ =	sdelay $0x3  }
0x36: {  	p1 =	seq.s32 s10, $0x1;
	s10 =	sld [smem:$0x3FBA];
	_ =	sdelay $0x3  }
0x37: {  	[smem:$0x3FBA] =	sst s10  }
0x38: {  	s10 =	sld [smem:$0x3FBB]  }
0x39: {  	_ = 	snop;
	(pc) =	sbr.ind lr, $3  }
0x3a: {  	_ = 	snop  }
0x3b: {  	_ = 	snop  }
0x3c: {  	p2 =	seq.s32 s10, $0x1;
	s10 =	sld [smem:$0x3FBA]  }
0x3d: {  	_ =	shalt  }
0x3e: {  	_ =	shalt  }
0x3f: {  	_ =	shalt  }
0x40: {  	_ =	shalt  }
0x41: {  	_ =	shalt  }
0x42: {  	_ =	shalt  }
0x43: {  	_ =	shalt  }
0x44: {  	_ =	shalt  }
0x45: {  	_ =	shalt  }
0x46: {  	_ =	shalt  }
0x47: {  	_ =	shalt  }
0x48: {  	_ =	shalt  }
0x49: {  	_ =	shalt  }
0x4a: {  	_ =	shalt  }
0x4b: {  	_ =	shalt  }
0x4c: {  	_ =	shalt  }
0x4d: {  	_ =	shalt  }
0x4e: {  	_ =	shalt  }
0x4f: {  	_ =	shalt  }
0x50: {  	_ =	shalt  }
0x51: {  	_ =	shalt  }
0x52: {  	_ =	shalt  }
0x53: {  	_ =	shalt  }
0x54: {  	_ =	shalt  }
0x55: {  	_ =	shalt  }
0x56: {  	_ =	shalt  }
0x57: {  	_ =	shalt  }
0x58: {  	_ =	shalt  }
0x59: {  	_ =	shalt  }
0x5a: {  	_ =	shalt  }
0x5b: {  	_ =	shalt  }
0x5c: {  	_ =	shalt  }
0x5d: {  	_ =	shalt  }
0x5e: {  	_ =	shalt  }
0x5f: {  	_ =	shalt  }
0x60: {  	_ =	shalt  }
0x61: {  	_ =	shalt  }
0x62: {  	_ =	shalt  }
0x63: {  	_ =	shalt  }
0x64: {  	_ =	shalt  }
0x65: {  	_ =	shalt  }
0x66: {  	_ =	shalt  }
0x67: {  	_ =	shalt  }
0x68: {  	_ =	shalt  }
0x69: {  	_ =	shalt  }
0x6a: {  	_ =	shalt  }
0x6b: {  	_ =	shalt  }
0x6c: {  	_ =	shalt  }
0x6d: {  	_ =	shalt  }
0x6e: {  	_ =	shalt  }
0x6f: {  	_ =	shalt  }
0x70: {  	_ =	shalt  }
0x71: {  	_ =	shalt  }
0x72: {  	_ =	shalt  }
0x73: {  	_ =	shalt  }
0x74: {  	_ =	shalt  }
0x75: {  	_ =	shalt  }
0x76: {  	_ =	shalt  }
0x77: {  	_ =	shalt  }
0x78: {  	_ =	shalt  }
0x79: {  	_ =	shalt  }
0x7a: {  	_ =	shalt  }
0x7b: {  	_ =	shalt  }
0x7c: {  	_ =	shalt  }
0x7d: {  	_ =	shalt  }
0x7e: {  	_ =	shalt  }
0x7f: {  	_ =	shalt  }
0x80: {  	_ =	shalt  }
0x81: {  	_ =	shalt  }
0x82: {  	_ =	shalt  }
0x83: {  	_ =	shalt  }
0x84: {  	_ =	shalt  }
0x85: {  	_ =	shalt  }
0x86: {  	_ =	shalt  }
0x87: {  	_ =	shalt  }
.Lfunc_end0:
.L_simem_size_0:
called_computation.1_lowered:
.L_overlay_start_0:
0x88: {  	s2 =	sld [smem:$0x3FD9]  }
0x89: {  	s3 =	sld [smem:$0x3FFE];
	_ =	sdelay $0x1  }
0x8a: {  	s1 =	srdreg.scid  }
0x8b: {  	s0 =	sand.u32 $0x1, s1  }
0x8c: {  	s16 =	sshll.u32 s0, $0xA;
	s2 =	sadd.s32 s3, s2  }
0x8d: {  	s2 =	sadd.s32 s2, s16  }
0x8e: {  	[smem:$0x3FC6] =	sst s2  }
0x8f: {  	_ = 	snop  }
0x90: {  	(tm) =	ssettm $0x1  }
0x91: {  	s17 =	sld [smem:$0x3FFB];
	_ =	sdelay $0x3  }
0x92: {  	_ =	strace s17  }
0x93: {  	s2 =	sld [smem:$0x3FFC];
	_ =	sdelay $0x3  }
0x94: {  	_ =	strace s2  }
0x95: {  	s2 =	sld [smem:$0x3FFD];
	_ =	sdelay $0x3  }
0x96: {  	_ =	strace s2  }
0x97: {  	_ =	strace $0x8FFFFFFF  }
0x98: {  	s18 =	sld [smem:$0x3FDB];
	_ =	sdelay $0x1  }
0x99: {  	s19 =	simm.s32 $_scs_section_size  }
0x9a: {  	s4 =	simm.s32 $_size__tile_overlayer_lowered;
	s5 =	simm.s32 $_tile_overlayer_lowered  }
0x9b: {  	s22 =	simm.s32 $0x1BFF;
	s21 =	sshll.u32 s5, $0x1;
	s2 =	sadd.s32 s19, s18  }
0x9c: {  	s6 =	simm.s32 $0x0;
	s20 =	sshll.u32 s4, $0x1;
	s4 =	sadd.s32 s21, s2  }
0x9d: {  	[timem:s6], [sflag:s22] =	dma.local [hbm:s4], s20  }
0x9e: {  	_ =	swait.ge [sflag:s22], s20  }
0x9f: {  	s3 =	ssub.s32 $0x0, s20;
	[sflag:s22] =	ssyncset.done $0x0  }
0xa0: {  	[sflag:s22] =	ssyncadd.s32 s3;
	_ =	sdelay $0x1  }
0xa1: {  	s23 =	simm.s32 $0x1B8B  }
0xa2: {  	_ =	swait.ge [sflag:s23], $0x1  }
0xa3: {  	[sflag:s23] =	ssyncset.done $0x0  }
0xa4: {  	s25 =	simm.s32 $0x1B8E;
	s24 =	sld [smem:$0x3FFE];
	[sflag:s23] =	ssyncadd.s32 $0xFFFFFFFF  }
0xa5: {  	s26 =	simm.s32 $execute0_lowered;
	[smem:$0x3FD2] =	sst s25  }
0xa6: {  	s4 =	sshll.u32 s26, $0x1;
	_ =	strace $0x80000046;
	[dreg:$0x1] =	wrdreg $0xFFFFFFFF  }
0xa7: {  	s28 =	simm.s32 $_size_execute0_lowered;
	s2 =	sadd.s32 s2, s4;
	[dreg:$0x0] =	wrdreg $0x0  }
0xa8: {  	s4 =	sshll.u32 s28, $0x1;
	[dreg:$0x2] =	wrdreg s2  }
0xa9: {  	[dreg:$0x3] =	wrdreg s4  }
0xaa: {  	[dreg:$0x4] =	wrdreg $0xC0  }
0xab: {  	_ =	task [dreg:s6], $0x5FFFF  }
0xac: {  	[dreg:$0x1] =	wrdreg $0xFFFFFFFF  }
0xad: {  	[dreg:$0x0] =	wrdreg $0x60  }
0xae: {  	[dreg:$0x2] =	wrdreg s24  }
0xaf: {  	[dreg:$0x3] =	wrdreg $0x0  }
0xb0: {  	[dreg:$0x4] =	wrdreg $0xA  }
0xb1: {  	_ =	task.clear_ibuf [dreg:s6], $0x5FFFF;
	_ =	strace $0x90000046  }
0xb2: {  	s29 =	simm.s32 $0xA;
	_ =	strace $0x80000048  }
0xb3: {  	_ =	swait.ge [sflag:s29], $0x1  }
0xb4: {  	[sflag:s29] =	ssyncadd.s32 $0xFFFFFFFF  }
0xb5: {  	_ =	strace $0x90000048  }
0xb6: {  	_ =	sfence  }
0xb7: {  	s30 =	sld [smem:$0x0];
	_ =	sdelay $0x2  }
0xb8: {  	s31 =	sshll.u32 s1, $0xD;
	s1 =	sshrl.u32 s1, $0x2  }
0xb9: {  	s3 =	sand.u32 $0x4000, s31;
	s1 =	sadd.s32 s1, s30  }
0xba: {  	s0 =	sor.u32 s3, s0;
	s1 =	sshll.u32 s1, $0x11  }
0xbb: {  	s0 =	sor.u32 s1, s0  }
0xbc: {  	s0 =	sadd.s32 $0x8F2B, s0  }
0xbd: {  	[sflag:s0] =	ssyncadd.remote.s32 $0x1  }
0xbe: {  	_ =	sfence.sel $0xFFFF  }
0xbf: {  	[dreg:$0x0] =	wrdreg $0xFFFFFFFF;
	(pc) =	sbr.abs _section_cstart, $3  }
0xc0: {  	[dreg:$0x1] =	wrdreg $0xFFFFFFFF  }
0xc1: {  	_ =	task.clear_ibuf [dreg:s6], $0x2FFFF;
	_ =	strace $0x9FFFFFFF  }
0xc2: {  	(tm) =	ssettm $0x7FFFFFFF  }
0xc3: {  	_ =	shalt  }
tec
execute0_lowered:
.L_overlay_start_1:
0x0: {  	(tag) =	ssettag $0x1  }
0x1: {  	s3 =	rddreg [dreg:$0x0]  }
0x2: {  	s1 =	rddreg [dreg:$0x1]  }
0x3: {  	s2 =	simm.s32 $0x0;
	s4 =	srdreg.scid;
	s5 =	stileid.u32  }
0x4: {  	s26 =	simm.s32 $0x480;
	[smem:$0x7FF] =	sst s2;
	s21 =	sadd.s32 $0xE00, s3  }
0x5: {  	s0 =	simm.s32 $0x1C00;
	_ =	strace $0x80000047;
	[dreg:$0x3] =	wrdreg s21  }
0x6: {  	s9 =	simm.s32 $0x4C00;
	s6 =	sshll.u32 s5, $0xC;
	[dreg:$0x9] =	wrdreg s26  }
0x7: {  	p0 =	sne.s32 s5, $0x0;
	s5 =	simm.s32 $0x2C00;
	[dreg:$0xa] =	wrdreg s0  }
0x8: {  	s10 =	simm.s32 $0x680;
	s11 =	simm.s32 $0x5C00;
	[dreg:$0xc] =	wrdreg s5  }
0x9: {  	s12 =	simm.s32 $0x700;
	s29 =	sand.u32 $0x1, s4;
	[dreg:$0x10] =	wrdreg s9  }
0xa: {  	s13 =	simm.s32 $0x6C00;
	s7 =	sshll.u32 s29, $0xB;
	[dreg:$0x11] =	wrdreg s10  }
0xb: {  	s23 =	sadd.s32 $0x1600, s3;
	[dreg:$0x12] =	wrdreg s11;
	s22 =	sor.u32 s7, s6  }
0xc: {  	s3 =	sadd.s32 $0x3600, s3;
	[dreg:$0x13] =	wrdreg s12;
	s7 =	sshrl.u32 s22, $0x3  }
0xd: {  	[dreg:$0x14] =	wrdreg s13;
	s8 =	sshll.u32 s22, $0x2;
	s7 =	sadd.s32 s23, s7  }
0xe: {  	s4 =	sor.u32 $0x400, s22;
	s24 =	sadd.s32 s3, s8;
	[dreg:$0x4] =	wrdreg s7  }
0xf: {  	s25 =	sshrl.u32 s4, $0x3;
	s8 =	simm.s32 $0x600;
	[dreg:$0x5] =	wrdreg s24  }
0x10: {  	s4 =	sshll.u32 s4, $0x2;
	s6 =	sadd.s32 s23, s25;
	[dreg:$0xf] =	wrdreg s8  }
0x11: {  	s3 =	sadd.s32 s3, s4;
	[dreg:$0x6] =	wrdreg s6  }
0x12: {  	s4 =	simm.s32 $0x500;
	[dreg:$0x7] =	wrdreg s3  }
0x13: {  	s7 =	simm.s32 $0x3C00;
	[dreg:$0xb] =	wrdreg s4  }
0x14: {  	s3 =	sshrl.u32 @!p0 s1, $0x3;
	[dreg:$0xe] =	wrdreg s7  }
0x15: {  	s6 =	simm.s32 $0x580;
	[dreg:$0x8] =	wrdreg s3  }
0x16: {  	[dreg:$0xd] =	wrdreg s6  }
0x17: {  	s6 =	rddreg [dreg:$0x3]  }
0x18: {  	s0 =	simm.s32 @!p0 $0x1C04;
	s4 =	simm.s32 @!p0 $0x4;
	s5 =	rddreg [dreg:$0x8]  }
0x19: {  	[spmem:s5], [sflag:s0] =	dma.local @!p0 [hbm:s6], $0x800  }
0x1a: {  	_ =	swait.ge @!p0 [sflag:s4], $0x800  }
0x1b: {  	[sflag:s4] =	ssyncset.done @!p0 $0x0  }
0x1c: {  	[sflag:s4] =	ssyncadd.s32 @!p0 $0xFFFFF800  }
0x1d: {  	[bflag:$0x0] =	sbarrier.arrive $0xFFFF  }
0x1e: {  	s5 =	simm.s32 $0x400;
	s6 =	simm.s32 $0x4;
	s14 =	rddreg [dreg:$0x4]  }
0x1f: {  	[tilespmem:s5], [sflag:$0x4] =	stream.linear.gather [hbm4b:s14+s2], $0x400, $0x38;
	[tilespmem:$0x10C00] =	vst v63  }
0x20: {  	_ =	swait.ge [sflag:s6], $0x400  }
0x21: {  	s9 =	rddreg [dreg:$0x14]  }
0x22: {  	s10 =	rddreg [dreg:$0x12]  }
0x23: {  	s11 =	rddreg [dreg:$0x10]  }
0x24: {  	s12 =	rddreg [dreg:$0xd]  }
0x25: {  	s8 =	simm.s32 $0xC00;
	s13 =	rddreg [dreg:$0xb];
	[sflag:s6] =	ssyncset.done $0x0  }
0x26: {  	s7 =	simm.s32 $0x80;
	s14 =	rddreg [dreg:$0x9];
	[sflag:s6] =	ssyncadd.s32 $0xFFFFFC00  }
0x27: {  	[tilespmem:s8], [sflag:$0x1] =	stream.indirect.gather [spmem:s1], $0x20, s5, s7, $0xb8;
	[tilespmem:$0x10C00] =	vst v63  }
0x28: {  	s15 =	rddreg [dreg:$0xa]  }
0x29: {  	[tilespmem:s15], [sflag:$0x1] =	stream.indirect.gather [spmem:s1], $0x20, s14, s7, $0xb8;
	[tilespmem:$0x10C00] =	vst v63  }
0x2a: {  	s16 =	rddreg [dreg:$0xc]  }
0x2b: {  	[tilespmem:s16], [sflag:$0x1] =	stream.indirect.gather [spmem:s1], $0x20, s13, s7, $0xb8;
	[tilespmem:$0x10C00] =	vst v63  }
0x2c: {  	s15 =	rddreg [dreg:$0xe]  }
0x2d: {  	[tilespmem:s15], [sflag:$0x1] =	stream.indirect.gather [spmem:s1], $0x20, s12, s7, $0xb8;
	[tilespmem:$0x10C00] =	vst v63  }
0x2e: {  	s16 =	rddreg [dreg:$0xf]  }
0x2f: {  	[tilespmem:s11], [sflag:$0x1] =	stream.indirect.gather [spmem:s1], $0x20, s16, s7, $0xb8;
	[tilespmem:$0x10C00] =	vst v63  }
0x30: {  	s17 =	rddreg [dreg:$0x11]  }
0x31: {  	[tilespmem:s10], [sflag:$0x1] =	stream.indirect.gather [spmem:s1], $0x20, s17, s7, $0xb8;
	[tilespmem:$0x10C00] =	vst v63  }
0x32: {  	s18 =	rddreg [dreg:$0x13]  }
0x33: {  	[tilespmem:s9], [sflag:$0x1] =	stream.indirect.gather [spmem:s1], $0x20, s18, s7, $0xb8;
	[tilespmem:$0x10C00] =	vst v63  }
0x34: {  	s19 =	simm.s32 $0x780;
	s20 =	simm.s32 $0x7C00;
	s11 =	simm.s32 $0x1  }
0x35: {  	[tilespmem:s20], [sflag:$0x1] =	stream.indirect.gather [spmem:s1], $0x20, s19, s7, $0xb8;
	[tilespmem:$0x10C00] =	vst v63  }
0x36: {  	_ =	swait.ge [sflag:s11], $0x1000  }
0x37: {  	[sflag:s11] =	ssyncset.done $0x0  }
0x38: {  	[sflag:s11] =	ssyncadd.s32 $0xFFFFF000  }
0x39: {  	_ =	swait.ge [sflag:s11], $0x1000  }
0x3a: {  	[sflag:s11] =	ssyncset.done $0x0  }
0x3b: {  	[sflag:s11] =	ssyncadd.s32 $0xFFFFF000  }
0x3c: {  	_ =	swait.ge [sflag:s11], $0x1000  }
0x3d: {  	[sflag:s11] =	ssyncset.done $0x0  }
0x3e: {  	[sflag:s11] =	ssyncadd.s32 $0xFFFFF000  }
0x3f: {  	_ =	swait.ge [sflag:s11], $0x1000  }
0x40: {  	[sflag:s11] =	ssyncset.done $0x0  }
0x41: {  	[sflag:s11] =	ssyncadd.s32 $0xFFFFF000  }
0x42: {  	_ =	swait.ge [sflag:s11], $0x1000  }
0x43: {  	[sflag:s11] =	ssyncset.done $0x0  }
0x44: {  	[sflag:s11] =	ssyncadd.s32 $0xFFFFF000  }
0x45: {  	_ =	swait.ge [sflag:s11], $0x1000  }
0x46: {  	[sflag:s11] =	ssyncset.done $0x0  }
0x47: {  	[sflag:s11] =	ssyncadd.s32 $0xFFFFF000  }
0x48: {  	_ =	swait.ge [sflag:s11], $0x1000  }
0x49: {  	[sflag:s11] =	ssyncset.done $0x0  }
0x4a: {  	[sflag:s11] =	ssyncadd.s32 $0xFFFFF000  }
0x4b: {  	_ =	swait.ge [sflag:s11], $0x1000  }
0x4c: {  	[sflag:s11] =	ssyncset.done $0x0  }
0x4d: {  	s21 =	rddreg [dreg:$0x5];
	[sflag:s11] =	ssyncadd.s32 $0xFFFFF000  }
0x4e: {  	[hbm4b:s21+s2] =	stream.linear.scatter [tilespmem:s8], [sflag:$0x2], $0x8000, $0x38;
	[tilespmem:$0x10C00] =	vst v63  }
0x4f: {  	s12 =	simm.s32 $0x800;
	s22 =	rddreg [dreg:$0x6]  }
0x50: {  	[tilespmem:s12], [sflag:$0x4] =	stream.linear.gather [hbm4b:s22+s2], $0x400, $0x38;
	[tilespmem:$0x10C00] =	vst v63  }
0x51: {  	_ =	swait.ge [sflag:s6], $0x400  }
0x52: {  	[sflag:s6] =	ssyncset.done $0x0  }
0x53: {  	s13 =	simm.s32 $0x8C00;
	[sflag:s6] =	ssyncadd.s32 $0xFFFFFC00  }
0x54: {  	[tilespmem:s13], [sflag:$0x1] =	stream.indirect.gather [spmem:s1], $0x20, s12, s7, $0xb8;
	[tilespmem:$0x10C00] =	vst v63  }
0x55: {  	s23 =	simm.s32 $0x880;
	s24 =	simm.s32 $0x9C00  }
0x56: {  	[tilespmem:s24], [sflag:$0x1] =	stream.indirect.gather [spmem:s1], $0x20, s23, s7, $0xb8;
	[tilespmem:$0x10C00] =	vst v63  }
0x57: {  	s26 =	simm.s32 $0xAC00;
	s25 =	simm.s32 $0x900  }
0x58: {  	[tilespmem:s26], [sflag:$0x1] =	stream.indirect.gather [spmem:s1], $0x20, s25, s7, $0xb8;
	[tilespmem:$0x10C00] =	vst v63  }
0x59: {  	s18 =	simm.s32 $0x980;
	s19 =	simm.s32 $0xBC00  }
0x5a: {  	[tilespmem:s19], [sflag:$0x1] =	stream.indirect.gather [spmem:s1], $0x20, s18, s7, $0xb8;
	[tilespmem:$0x10C00] =	vst v63  }
0x5b: {  	s20 =	simm.s32 $0xA00;
	s21 =	simm.s32 $0xCC00  }
0x5c: {  	[tilespmem:s21], [sflag:$0x1] =	stream.indirect.gather [spmem:s1], $0x20, s20, s7, $0xb8;
	[tilespmem:$0x10C00] =	vst v63  }
0x5d: {  	s22 =	simm.s32 $0xA80;
	s23 =	simm.s32 $0xDC00  }
0x5e: {  	[tilespmem:s23], [sflag:$0x1] =	stream.indirect.gather [spmem:s1], $0x20, s22, s7, $0xb8;
	[tilespmem:$0x10C00] =	vst v63  }
0x5f: {  	s24 =	simm.s32 $0xB00;
	s25 =	simm.s32 $0xEC00  }
0x60: {  	[tilespmem:s25], [sflag:$0x1] =	stream.indirect.gather [spmem:s1], $0x20, s24, s7, $0xb8;
	[tilespmem:$0x10C00] =	vst v63  }
0x61: {  	s28 =	simm.s32 $0xFC00;
	s26 =	simm.s32 $0xB80  }
0x62: {  	[tilespmem:s28], [sflag:$0x1] =	stream.indirect.gather [spmem:s1], $0x20, s26, s7, $0xb8;
	[tilespmem:$0x10C00] =	vst v63  }
0x63: {  	_ =	swait.ge [sflag:s11], $0x1000  }
0x64: {  	[sflag:s11] =	ssyncset.done $0x0  }
0x65: {  	[sflag:s11] =	ssyncadd.s32 $0xFFFFF000  }
0x66: {  	_ =	swait.ge [sflag:s11], $0x1000  }
0x67: {  	[sflag:s11] =	ssyncset.done $0x0  }
0x68: {  	[sflag:s11] =	ssyncadd.s32 $0xFFFFF000  }
0x69: {  	_ =	swait.ge [sflag:s11], $0x1000  }
0x6a: {  	[sflag:s11] =	ssyncset.done $0x0  }
0x6b: {  	[sflag:s11] =	ssyncadd.s32 $0xFFFFF000  }
0x6c: {  	_ =	swait.ge [sflag:s11], $0x1000  }
0x6d: {  	[sflag:s11] =	ssyncset.done $0x0  }
0x6e: {  	[sflag:s11] =	ssyncadd.s32 $0xFFFFF000  }
0x6f: {  	_ =	swait.ge [sflag:s11], $0x1000  }
0x70: {  	[sflag:s11] =	ssyncset.done $0x0  }
0x71: {  	[sflag:s11] =	ssyncadd.s32 $0xFFFFF000  }
0x72: {  	s29 =	ssub.s32 $0x2, s29;
	_ =	swait.ge [sflag:s11], $0x1000  }
0x73: {  	s31 =	sshrl.u32 s29, $0x1;
	[sflag:s11] =	ssyncset.done $0x0  }
0x74: {  	s29 =	ssub.s32 s29, s31;
	[sflag:s11] =	ssyncadd.s32 $0xFFFFF000  }
0x75: {  	s29 =	smax.u32 s29, $0x1;
	_ =	swait.ge [sflag:s11], $0x1000  }
0x76: {  	s31 =	sadd.s32 $0xFFFFFFFF, s29;
	[sflag:s11] =	ssyncset.done $0x0  }
0x77: {  	p1 =	sne.s32 s31, $0x0;
	[sflag:s11] =	ssyncadd.s32 $0xFFFFF000  }
.Ltmp0:
0x78: {  	_ =	swait.ge [sflag:s11], $0x1000;
	(pc) =	sbr.rel @!p1 .LBB2_2-.Ltmp0, $4  }
0x79: {  	[sflag:s11] =	ssyncset.done $0x0  }
0x7a: {  	s30 =	rddreg [dreg:$0x7];
	[sflag:s11] =	ssyncadd.s32 $0xFFFFF000  }
0x7b: {  	[hbm4b:s30+s2] =	stream.linear.scatter [tilespmem:s13], [sflag:$0x3], $0x8000, $0x38;
	[tilespmem:$0x10C00] =	vst v63  }
0x7c: {  	s29 =	simm.s32 $0x3;
	s30 =	simm.s32 $0x2  }
.LBB2_1:
0x7d: {  	_ =	swait.ge [sflag:s30], $0x8000  }
0x7e: {  	[sflag:s30] =	ssyncset.done $0x0  }
0x7f: {  	[sflag:s30] =	ssyncadd.s32 $0xFFFF8000  }
0x80: {  	_ =	swait.ge [sflag:s29], $0x8000  }
0x81: {  	s0 =	rddreg [dreg:$0x8];
	[sflag:s29] =	ssyncset.done $0x0  }
0x82: {  	s9 =	simm.s32 @!p0 $0x1C04;
	s3 =	rddreg [dreg:$0x3];
	[sflag:s29] =	ssyncadd.s32 $0xFFFF8000  }
0x83: {  	[spmem:s0], [sflag:s9] =	dma.local @!p0 [hbm:s3], $0x800  }
0x84: {  	_ =	swait.ge @!p0 [sflag:s4], $0x800  }
0x85: {  	[sflag:s4] =	ssyncset.done @!p0 $0x0  }
0x86: {  	[sflag:s4] =	ssyncadd.s32 @!p0 $0xFFFFF800  }
0x87: {  	[bflag:$0x0] =	sbarrier.arrive $0xFFFF  }
0x88: {  	s15 =	rddreg [dreg:$0x4]  }
0x89: {  	[tilespmem:s5], [sflag:$0x4] =	stream.linear.gather [hbm4b:s15+s2], $0x400, $0x38;
	[tilespmem:$0x10C00] =	vst v63  }
0x8a: {  	_ =	swait.ge [sflag:s6], $0x400  }
0x8b: {  	s0 =	rddreg [dreg:$0x14]  }
0x8c: {  	s3 =	rddreg [dreg:$0x12]  }
0x8d: {  	s9 =	rddreg [dreg:$0x10]  }
0x8e: {  	s10 =	rddreg [dreg:$0xd]  }
0x8f: {  	[sflag:s6] =	ssyncset.done $0x0;
	s14 =	rddreg [dreg:$0xb]  }
0x90: {  	s15 =	rddreg [dreg:$0x9];
	[sflag:s6] =	ssyncadd.s32 $0xFFFFFC00  }
0x91: {  	[tilespmem:s8], [sflag:$0x1] =	stream.indirect.gather [spmem:s1], $0x20, s5, s7, $0xb8;
	[tilespmem:$0x10C00] =	vst v63  }
0x92: {  	s16 =	rddreg [dreg:$0xa]  }
0x93: {  	[tilespmem:s16], [sflag:$0x1] =	stream.indirect.gather [spmem:s1], $0x20, s15, s7, $0xb8;
	[tilespmem:$0x10C00] =	vst v63  }
0x94: {  	s17 =	rddreg [dreg:$0xc]  }
0x95: {  	[tilespmem:s17], [sflag:$0x1] =	stream.indirect.gather [spmem:s1], $0x20, s14, s7, $0xb8;
	[tilespmem:$0x10C00] =	vst v63  }
0x96: {  	s15 =	rddreg [dreg:$0xe]  }
0x97: {  	[tilespmem:s15], [sflag:$0x1] =	stream.indirect.gather [spmem:s1], $0x20, s10, s7, $0xb8;
	[tilespmem:$0x10C00] =	vst v63  }
0x98: {  	s16 =	rddreg [dreg:$0xf]  }
0x99: {  	[tilespmem:s9], [sflag:$0x1] =	stream.indirect.gather [spmem:s1], $0x20, s16, s7, $0xb8;
	[tilespmem:$0x10C00] =	vst v63  }
0x9a: {  	s17 =	rddreg [dreg:$0x11]  }
0x9b: {  	[tilespmem:s3], [sflag:$0x1] =	stream.indirect.gather [spmem:s1], $0x20, s17, s7, $0xb8;
	[tilespmem:$0x10C00] =	vst v63  }
0x9c: {  	s15 =	rddreg [dreg:$0x13]  }
0x9d: {  	[tilespmem:s0], [sflag:$0x1] =	stream.indirect.gather [spmem:s1], $0x20, s15, s7, $0xb8;
	[tilespmem:$0x10C00] =	vst v63  }
0x9e: {  	s16 =	simm.s32 $0x780;
	s17 =	simm.s32 $0x7C00  }
0x9f: {  	[tilespmem:s17], [sflag:$0x1] =	stream.indirect.gather [spmem:s1], $0x20, s16, s7, $0xb8;
	[tilespmem:$0x10C00] =	vst v63  }
0xa0: {  	_ =	swait.ge [sflag:s11], $0x1000  }
0xa1: {  	[sflag:s11] =	ssyncset.done $0x0  }
0xa2: {  	[sflag:s11] =	ssyncadd.s32 $0xFFFFF000  }
0xa3: {  	_ =	swait.ge [sflag:s11], $0x1000  }
0xa4: {  	[sflag:s11] =	ssyncset.done $0x0  }
0xa5: {  	[sflag:s11] =	ssyncadd.s32 $0xFFFFF000  }
0xa6: {  	_ =	swait.ge [sflag:s11], $0x1000  }
0xa7: {  	[sflag:s11] =	ssyncset.done $0x0  }
0xa8: {  	[sflag:s11] =	ssyncadd.s32 $0xFFFFF000  }
0xa9: {  	_ =	swait.ge [sflag:s11], $0x1000  }
0xaa: {  	[sflag:s11] =	ssyncset.done $0x0  }
0xab: {  	[sflag:s11] =	ssyncadd.s32 $0xFFFFF000  }
0xac: {  	_ =	swait.ge [sflag:s11], $0x1000  }
0xad: {  	[sflag:s11] =	ssyncset.done $0x0  }
0xae: {  	[sflag:s11] =	ssyncadd.s32 $0xFFFFF000  }
0xaf: {  	_ =	swait.ge [sflag:s11], $0x1000  }
0xb0: {  	[sflag:s11] =	ssyncset.done $0x0  }
0xb1: {  	[sflag:s11] =	ssyncadd.s32 $0xFFFFF000  }
0xb2: {  	_ =	swait.ge [sflag:s11], $0x1000  }
0xb3: {  	[sflag:s11] =	ssyncset.done $0x0  }
0xb4: {  	[sflag:s11] =	ssyncadd.s32 $0xFFFFF000  }
0xb5: {  	_ =	swait.ge [sflag:s11], $0x1000  }
0xb6: {  	[sflag:s11] =	ssyncset.done $0x0  }
0xb7: {  	s3 =	rddreg [dreg:$0x5];
	[sflag:s11] =	ssyncadd.s32 $0xFFFFF000  }
0xb8: {  	[hbm4b:s3+s2] =	stream.linear.scatter [tilespmem:s8], [sflag:$0x2], $0x8000, $0x38;
	[tilespmem:$0x10C00] =	vst v63  }
0xb9: {  	s9 =	rddreg [dreg:$0x6]  }
0xba: {  	[tilespmem:s12], [sflag:$0x4] =	stream.linear.gather [hbm4b:s9+s2], $0x400, $0x38;
	[tilespmem:$0x10C00] =	vst v63  }
0xbb: {  	_ =	swait.ge [sflag:s6], $0x400  }
0xbc: {  	[sflag:s6] =	ssyncset.done $0x0  }
0xbd: {  	[sflag:s6] =	ssyncadd.s32 $0xFFFFFC00  }
0xbe: {  	[tilespmem:s13], [sflag:$0x1] =	stream.indirect.gather [spmem:s1], $0x20, s12, s7, $0xb8;
	[tilespmem:$0x10C00] =	vst v63  }
0xbf: {  	s14 =	simm.s32 $0x9C00;
	s10 =	simm.s32 $0x880  }
0xc0: {  	[tilespmem:s14], [sflag:$0x1] =	stream.indirect.gather [spmem:s1], $0x20, s10, s7, $0xb8;
	[tilespmem:$0x10C00] =	vst v63  }
0xc1: {  	s15 =	simm.s32 $0x900;
	s16 =	simm.s32 $0xAC00  }
0xc2: {  	[tilespmem:s16], [sflag:$0x1] =	stream.indirect.gather [spmem:s1], $0x20, s15, s7, $0xb8;
	[tilespmem:$0x10C00] =	vst v63  }
0xc3: {  	_ = 	snop  }
0xc4: {  	[tilespmem:s19], [sflag:$0x1] =	stream.indirect.gather [spmem:s1], $0x20, s18, s7, $0xb8;
	[tilespmem:$0x10C00] =	vst v63  }
0xc5: {  	_ = 	snop  }
0xc6: {  	[tilespmem:s21], [sflag:$0x1] =	stream.indirect.gather [spmem:s1], $0x20, s20, s7, $0xb8;
	[tilespmem:$0x10C00] =	vst v63  }
0xc7: {  	_ = 	snop  }
0xc8: {  	[tilespmem:s23], [sflag:$0x1] =	stream.indirect.gather [spmem:s1], $0x20, s22, s7, $0xb8;
	[tilespmem:$0x10C00] =	vst v63  }
0xc9: {  	_ = 	snop  }
0xca: {  	[tilespmem:s25], [sflag:$0x1] =	stream.indirect.gather [spmem:s1], $0x20, s24, s7, $0xb8;
	[tilespmem:$0x10C00] =	vst v63  }
0xcb: {  	_ = 	snop  }
0xcc: {  	[tilespmem:s28], [sflag:$0x1] =	stream.indirect.gather [spmem:s1], $0x20, s26, s7, $0xb8;
	[tilespmem:$0x10C00] =	vst v63  }
0xcd: {  	_ =	swait.ge [sflag:s11], $0x1000  }
0xce: {  	[sflag:s11] =	ssyncset.done $0x0  }
0xcf: {  	[sflag:s11] =	ssyncadd.s32 $0xFFFFF000  }
0xd0: {  	_ =	swait.ge [sflag:s11], $0x1000  }
0xd1: {  	[sflag:s11] =	ssyncset.done $0x0  }
0xd2: {  	[sflag:s11] =	ssyncadd.s32 $0xFFFFF000  }
0xd3: {  	_ =	swait.ge [sflag:s11], $0x1000  }
0xd4: {  	[sflag:s11] =	ssyncset.done $0x0  }
0xd5: {  	[sflag:s11] =	ssyncadd.s32 $0xFFFFF000  }
0xd6: {  	_ =	swait.ge [sflag:s11], $0x1000  }
0xd7: {  	[sflag:s11] =	ssyncset.done $0x0  }
0xd8: {  	[sflag:s11] =	ssyncadd.s32 $0xFFFFF000  }
0xd9: {  	_ =	swait.ge [sflag:s11], $0x1000  }
0xda: {  	[sflag:s11] =	ssyncset.done $0x0  }
0xdb: {  	[sflag:s11] =	ssyncadd.s32 $0xFFFFF000  }
0xdc: {  	_ =	swait.ge [sflag:s11], $0x1000  }
0xdd: {  	[sflag:s11] =	ssyncset.done $0x0  }
0xde: {  	[sflag:s11] =	ssyncadd.s32 $0xFFFFF000  }
0xdf: {  	s31 =	sadd.s32 $0xFFFFFFFF, s31;
	_ =	swait.ge [sflag:s11], $0x1000  }
0xe0: {  	p1 =	sne.s32 s31, $0x0;
	[sflag:s11] =	ssyncset.done $0x0  }
.Ltmp1:
0xe1: {  	[sflag:s11] =	ssyncadd.s32 $0xFFFFF000;
	(pc) =	sbr.rel @p1 .LBB2_1-.Ltmp1, $4  }
0xe2: {  	_ =	swait.ge [sflag:s11], $0x1000  }
0xe3: {  	[sflag:s11] =	ssyncset.done $0x0  }
0xe4: {  	s17 =	rddreg [dreg:$0x7];
	[sflag:s11] =	ssyncadd.s32 $0xFFFFF000  }
0xe5: {  	[hbm4b:s17+s2] =	stream.linear.scatter [tilespmem:s13], [sflag:$0x3], $0x8000, $0x38;
	[tilespmem:$0x10C00] =	vst v63  }
.LBB2_2:
0xe6: {  	_ =	swait.ge [sflag:s30], $0x8000  }
0xe7: {  	[sflag:s30] =	ssyncset.done $0x0  }
0xe8: {  	[sflag:s30] =	ssyncadd.s32 $0xFFFF8000  }
0xe9: {  	_ =	swait.ge [sflag:s29], $0x8000  }
0xea: {  	[sflag:s29] =	ssyncset.done $0x0  }
0xeb: {  	[sflag:s29] =	ssyncadd.s32 $0xFFFF8000  }
0xec: {  	_ =	sfence.sel $0x180000  }
0xed: {  	[bflag:$0x0] =	sbarrier.arrive $0xFFFF  }
0xee: {  	_ =	strace $0x90000047  }
0xef: {  	[bflag:$0x2] =	sbarrier.arrive $0xFFFF  }
0xf0: {  	s0 =	rddreg [dreg:$0x2]  }
0xf1: {  	s0 =	sadd.s32 @!p0 $0x100000, s0  }
0xf2: {  	[sflag:s0] =	ssyncadd.tile.s32 @!p0 $0x1;
	_ =	shalt  }
.Lfunc_end2:
_tile_overlayer_lowered:
.L_overlay_start_2:
0xf3: {  	(tag) =	ssettag $0x2  }
0xf4: {  	s0 =	rddreg [dreg:$0x0];
	s2 =	stileid.u32  }
0xf5: {  	s1 =	rddreg [dreg:$0x1];
	p0 =	sne.s32 s2, $0x0  }
0xf6: {  	s3 =	rddreg [dreg:$0x2];
	[bflag:$0x3] =	sbarrier.arrive $0xFFFF;
	s2 =	simm.s32 @!p0 $0x1C04  }
0xf7: {  	[timem:s3], [sflag:s2] =	dma.local @!p0 [hbm:s0], s1  }
0xf8: {  	s0 =	simm.s32 @!p0 $0x4  }
0xf9: {  	_ =	swait.ge @!p0 [sflag:s0], s1  }
0xfa: {  	s1 =	ssub.s32 @!p0 $0x0, s1;
	[sflag:s0] =	ssyncset.done @!p0 $0x0  }
0xfb: {  	[sflag:s0] =	ssyncadd.s32 @!p0 s1  }
0xfc: {  	[bflag:$0x3] =	sbarrier.arrive $0xFFFF  }
0xfd: {  	_ =	shalt  }

</sc_bundles>
